<compile_context>
chip_gen: v7x
topology: tpu7x:2x2x1
jax: 0.10.2.dev20260603
libtpu: 0.0.44.dev20260713+nightly
codegen_flags: <defaults>
</compile_context>

<pallas_src>
import functools

import jax
import jax.numpy as jnp
from jax import lax
from jax.experimental import pallas as pl
from jax.experimental.pallas import tpu as pltpu
from jax.experimental.pallas import tpu_sc as plsc

_EPS = 1e-10
_K = 4
_M = 3
_NC = 2
_NS = 16
_L = 16
_N = 256 * 256
_PX = _N // _NS
_NCH = _PX // _L
_B = 16
_B_SC = 2
_IMGS = _B_SC // _NC
_UNROLL = 1
_LN2 = 0.6931471805599453
_LOG2PI = 1.8378770664093453


def _vlog(v):
    bits = lax.bitcast_convert_type(v, jnp.int32)
    e = ((bits >> 23) & 0xFF) - 127
    mbits = (bits & 0x007FFFFF) | 0x3F800000
    m = lax.bitcast_convert_type(mbits, jnp.float32)
    big = m >= 1.4142135623730951
    m = jnp.where(big, m * 0.5, m)
    e = e + jnp.where(big, 1, 0)
    t = (m - 1.0) / (m + 1.0)
    t2 = t * t
    p = t2 * (1.0 / 9.0) + (1.0 / 7.0)
    p = p * t2 + (1.0 / 5.0)
    p = p * t2 + (1.0 / 3.0)
    p = p * t2 + 1.0
    return e.astype(jnp.float32) * _LN2 + 2.0 * t * p


def _lane(j):
    return lax.iota(jnp.int32, _L) == j


def _sc_body(pred_hbm, x_hbm, h_hbm, out_hbm,
             pred_v, x_v, h_v, stats_v, all_v, part_v, shared):
    c = lax.axis_index("c")
    s = lax.axis_index("s")
    base = s * _PX
    iot = lax.iota(jnp.int32, _L)
    zero = jnp.zeros((_L,), jnp.float32)

    num_scals = []
    den_scals = []
    for img in range(_IMGS):
        b = c * _IMGS + img
        pltpu.sync_copy(pred_hbm.at[b, :, pl.ds(base, _PX)], pred_v)
        pltpu.sync_copy(x_hbm.at[b, :, pl.ds(base, _PX)], x_v)
        pltpu.sync_copy(h_hbm.at[b, pl.ds(base, _PX)], h_v)

        def p1(i, carry):
            accs = list(carry)
            off = i * _L
            hh = h_v[pl.ds(off, _L)]
            xs = [x_v[m, pl.ds(off, _L)] for m in range(_M)]
            new = []
            for k in range(_K):
                pm = pred_v[k, pl.ds(off, _L)] * hh
                pxms = [pm * xs[m] for m in range(_M)]
                new.append(accs[k * 7] + pm)
                for m in range(_M):
                    new.append(accs[k * 7 + 1 + m] + pxms[m])
                for m in range(_M):
                    new.append(accs[k * 7 + 4 + m] + pxms[m] * xs[m])
            return tuple(new)

        init = tuple(zero for _ in range(_K * 7))
        accs = lax.fori_loop(0, _NCH, p1, init, unroll=_UNROLL)

        chunk0 = zero
        chunk1 = zero
        for k in range(_K):
            dsum = jnp.sum(accs[k * 7])
            chunk0 = chunk0 + jnp.where(_lane(12 + k), dsum, 0.0)
            for m in range(_M):
                chunk0 = chunk0 + jnp.where(_lane(3 * k + m),
                                            jnp.sum(accs[k * 7 + 1 + m]), 0.0)
                chunk1 = chunk1 + jnp.where(_lane(3 * k + m),
                                            jnp.sum(accs[k * 7 + 4 + m]), 0.0)
        stats_v[pl.ds(0, _L)] = chunk0
        stats_v[pl.ds(_L, _L)] = chunk1

        pltpu.sync_copy(stats_v.at[pl.ds(0, 2 * _L)], shared.at[s])
        plsc.subcore_barrier()
        pltpu.sync_copy(shared, all_v)
        plsc.subcore_barrier()

        tot0 = zero
        tot1 = zero
        for i in range(_NS):
            tot0 = tot0 + all_v[i, pl.ds(0, _L)]
            tot1 = tot1 + all_v[i, pl.ds(_L, _L)]

        dn_b = jnp.full((_L,), 1.0, jnp.float32)
        for k in range(_K):
            dnk = jnp.sum(jnp.where(_lane(12 + k), tot0, 0.0)) + _EPS
            dn_b = jnp.where((iot >= 3 * k) & (iot < 3 * k + 3), dnk, dn_b)
        muv = tot0 / dn_b
        varv = tot1 / dn_b - muv * muv + _EPS
        varv = jnp.where(iot < 12, varv, 1.0)
        inv2v = 0.5 / varv
        lv = _vlog(varv) + _LOG2PI

        mu_s = [[muv[3 * k + m] for m in range(_M)] for k in range(_K)]
        i2_s = [[inv2v[3 * k + m] for m in range(_M)] for k in range(_K)]
        lc_s = [-0.5 * (lv[3 * k] + lv[3 * k + 1] + lv[3 * k + 2])
                for k in range(_K)]

        def p2(i, carry):
            acc_num, acc_h = carry
            off = i * _L
            hh = h_v[pl.ds(off, _L)]
            xs = [x_v[m, pl.ds(off, _L)] for m in range(_M)]
            mix = zero
            for k in range(_K):
                d0 = xs[0] - mu_s[k][0]
                d1 = xs[1] - mu_s[k][1]
                d2 = xs[2] - mu_s[k][2]
                q = lc_s[k] - (d0 * d0 * i2_s[k][0]
                               + d1 * d1 * i2_s[k][1]
                               + d2 * d2 * i2_s[k][2])
                mix = mix + pred_v[k, pl.ds(off, _L)] * jnp.exp(q)
            ll = _vlog(mix + _EPS)
            return acc_num + hh * ll, acc_h + hh

        acc_num, acc_h = lax.fori_loop(0, _NCH, p2, (zero, zero),
                                       unroll=_UNROLL)
        num_scals.append(jnp.sum(acc_num))
        den_scals.append(jnp.sum(acc_h))

    part = zero
    for img in range(_IMGS):
        part = part + jnp.where(_lane(img), num_scals[img], 0.0)
        part = part + jnp.where(_lane(8 + img), den_scals[img], 0.0)
    part_v[pl.ds(0, _L)] = part
    pltpu.sync_copy(part_v, out_hbm.at[c, s])


def _sc_losses(pred, x, h):
    mesh = plsc.VectorSubcoreMesh(
        core_axis_name="c", subcore_axis_name="s",
        num_cores=_NC, num_subcores=_NS,
    )
    parts = pl.kernel(
        _sc_body,
        out_type=jax.ShapeDtypeStruct((_NC, _NS, _L), jnp.float32),
        mesh=mesh,
        compiler_params=pltpu.CompilerParams(needs_layout_passes=False),
        scratch_types=[
            pltpu.VMEM((_K, _PX), jnp.float32),
            pltpu.VMEM((_M, _PX), jnp.float32),
            pltpu.VMEM((_PX,), jnp.float32),
            pltpu.VMEM((3 * _L,), jnp.float32),
            pltpu.VMEM((_NS, 2 * _L), jnp.float32),
            pltpu.VMEM((_L,), jnp.float32),
            pltpu.VMEM_SHARED((_NS, 2 * _L), jnp.float32),
        ],
    )(pred, x, h)
    num = jnp.sum(parts[:, :, 0:_IMGS], axis=1)
    den = jnp.sum(parts[:, :, 8:8 + _IMGS], axis=1)
    return -(num / den).reshape(_B_SC)


def _tc_body(pred_ref, inp_ref, heart_ref, out_ref):
    p = pred_ref[0]
    x = inp_ref[0]
    h = heart_ref[0]
    h2 = h[0]

    pm = p * h

    denom = jnp.sum(pm, axis=(1, 2)) + _EPS
    s1 = []
    s2 = []
    for m in range(_M):
        xm = x[m]
        pxm = pm * xm
        s1.append(jnp.sum(pxm, axis=(1, 2)))
        s2.append(jnp.sum(pxm * xm, axis=(1, 2)))
    s1 = jnp.stack(s1, axis=1)
    s2 = jnp.stack(s2, axis=1)

    mu = s1 / denom[:, None]
    var = s2 / denom[:, None] - mu * mu + _EPS
    inv2 = 0.5 / var
    logcoef = -0.5 * jnp.sum(jnp.log(2.0 * jnp.pi * var), axis=1)

    acc = jnp.zeros_like(h2)
    for k in range(_K):
        q = logcoef[k] - (
            (x[0] - mu[k, 0]) ** 2 * inv2[k, 0]
            + (x[1] - mu[k, 1]) ** 2 * inv2[k, 1]
            + (x[2] - mu[k, 2]) ** 2 * inv2[k, 2]
        )
        acc = acc + p[k] * jnp.exp(q)
    ll = jnp.log(acc + _EPS)

    num = jnp.sum(h2 * ll)
    den = jnp.sum(h2)
    out_ref[pl.program_id(0)] = -num / den


def _tc_losses(predictions, inputs, heart):
    B, K, X, Y = predictions.shape
    b = B - _B_SC
    return pl.pallas_call(
        _tc_body,
        grid=(b,),
        in_specs=[
            pl.BlockSpec((1, K, X, Y), lambda i: (i + _B_SC, 0, 0, 0)),
            pl.BlockSpec((1, inputs.shape[1], X, Y),
                         lambda i: (i + _B_SC, 0, 0, 0)),
            pl.BlockSpec((1, 1, X, Y), lambda i: (i + _B_SC, 0, 0, 0)),
        ],
        out_specs=pl.BlockSpec(memory_space=pltpu.MemorySpace.SMEM),
        out_shape=jax.ShapeDtypeStruct((b,), jnp.float32),
    )(predictions, inputs, heart)


@jax.jit
def kernel(predictions, inputs, heart):
    B, K, X, Y = predictions.shape
    pred_sc = predictions.reshape(B, K, X * Y)
    x_sc = inputs.reshape(B, inputs.shape[1], X * Y)
    h_sc = heart.reshape(B, X * Y)

    sc = _sc_losses(pred_sc, x_sc, h_sc)
    tc = _tc_losses(predictions, inputs, heart)
    return jnp.mean(jnp.concatenate([sc, tc]))

# --- scband reference (transcript-rebuilt; emitter-appended) ---
"""Pipeline reference for scband-variant-gmm-26740466385349 (READ-ONLY COPY).

The authoritative reference and input builder live on the scoring server;
editing this copy changes nothing except your own understanding.
"""

import jax, jax.numpy as jnp
import numpy as np


def setup_inputs(seed: int = 0) -> dict:
    key = jax.random.key(seed)
    k1, k2 = jax.random.split(key)
    predictions = jax.random.uniform(k1, (16, 4, 256, 256), dtype=jnp.float32)
    inputs = jax.random.normal(k2, (16, 3, 256, 256), dtype=jnp.float32)
    heart = jnp.ones((16, 1, 256, 256), dtype=jnp.float32)
    return {"predictions": predictions, "inputs": inputs, "heart": heart}


def reference(predictions, inputs, heart):
    # Faithful vectorized translation of VariantGMM.forward.
    # The torch code boolean-masks pixels where heart == 1; here the mask is
    # applied via weighted sums, which is mathematically identical for a
    # binary mask (and exactly identical when heart is all ones).
    eps = 1e-10
    B, K, X, Y = predictions.shape
    M = inputs.shape[1]
    N = X * Y
    pred = predictions.reshape(B, K, N)            # [B,K,N]
    inp = inputs.reshape(B, M, N)                  # [B,M,N]
    msk = heart.reshape(B, 1, N)                   # [B,1,N]

    predm = pred * msk                             # masked predictions [B,K,N]
    denom = jnp.sum(predm, axis=2) + eps           # [B,K]  (sum of pred over ROI)

    # mu[b,k,m] = sum_n predm * inp / denom
    mu = jnp.einsum('bkn,bmn->bkm', predm, inp) / denom[:, :, None]   # [B,K,M]

    diff = inp[:, None, :, :] - mu[:, :, :, None]                     # [B,K,M,N]
    var = jnp.sum(predm[:, :, None, :] * diff ** 2, axis=3) / denom[:, :, None] + eps  # [B,K,M]

    gauss = (1.0 / jnp.sqrt(2.0 * jnp.pi * var[:, :, :, None])) * \
            jnp.exp(-(diff ** 2) / (2.0 * var[:, :, :, None]))        # [B,K,M,N]
    temp = jnp.prod(gauss, axis=2)                                    # [B,K,N]
    temp = pred * temp                                                # [B,K,N]

    ll = jnp.log(jnp.sum(temp, axis=1) + eps)                         # [B,N]
    mask1 = msk[:, 0, :]                                              # [B,N]
    # mean of log-likelihood over masked pixels
    likelylosses = -jnp.sum(mask1 * ll, axis=1) / jnp.sum(mask1, axis=1)  # [B]
    return jnp.mean(likelylosses)

if __name__ == "__main__":
    import jax
    _d = setup_inputs()
    print(jax.jit(kernel)(*tuple(_d.values())))

</pallas_src>

<mosaic_0001>
#map = affine_map<(d0, d1) -> (0, 0, 0)>
#map1 = affine_map<(d0, d1) -> (0, 0)>
module attributes {stable_mosaic.version = 14 : i64} {
  func.func @_sc_body(%arg0: i32, %arg1: i32, %arg2: memref<16x4x65536xf32, #tpu.memory_space<hbm>>, %arg3: memref<16x3x65536xf32, #tpu.memory_space<hbm>>, %arg4: memref<16x65536xf32, #tpu.memory_space<hbm>>, %arg5: memref<2x16x16xf32, #tpu.memory_space<hbm>>, %arg6: memref<4x4096xf32, #tpu.memory_space<vmem>>, %arg7: memref<3x4096xf32, #tpu.memory_space<vmem>>, %arg8: memref<4096xf32, #tpu.memory_space<vmem>>, %arg9: memref<48xf32, #tpu.memory_space<vmem>>, %arg10: memref<16x32xf32, #tpu.memory_space<vmem>>, %arg11: memref<16xf32, #tpu.memory_space<vmem>>, %arg12: memref<16x32xf32, #tpu.memory_space<vmem_shared>>) attributes {dimension_semantics = [#tpu.dimension_semantics<core_parallel>, #tpu.dimension_semantics<subcore_parallel>], iteration_bounds = array<i64: 2, 16>, scalar_prefetch = 0 : i64, scratch_operands = 7 : i64, tpu.core_type = #tpu.core_type<sc_vector_subcore>, window_params = [{transform_indices = #map}, {transform_indices = #map}, {transform_indices = #map1}, {transform_indices = #map}]} {
    %mul3A = arith.constant 4096 : i32
    %mul3A_0 = arith.muli %arg1, %mul3A : i32
    %iota3A = tpu.iota {dimensions = array<i32: 0>} : vector<16xi32>
    %broadcast_in_dim3A = arith.constant 0.000000e+00 : f32
    %broadcast_in_dim3A_1 = vector.broadcast %broadcast_in_dim3A : f32 to vector<16xf32>
    %mul3A_2 = arith.constant 1 : i32
    %mul3A_3 = arith.muli %arg0, %mul3A_2 : i32
    %add3A = arith.constant 0 : i32
    %add3A_4 = arith.addi %mul3A_3, %add3A : i32
    "tpu.region"() ({
      %run_scoped3A = tpu.sem_alloc : memref<!tpu.dma_semaphore, #tpu.memory_space<semaphore_mem>>
      %dma_start3A = arith.constant 0 : i32
      %dma_start3A_818 = tpu.memref_slice %arg2[%add3A_4, %dma_start3A, %mul3A_0] : memref<16x4x65536xf32, #tpu.memory_space<hbm>> -> memref<1x4x4096xf32, #tpu.memory_space<hbm>>
      %dma_start3A_819 = tpu.memref_squeeze %dma_start3A_818 : memref<1x4x4096xf32, #tpu.memory_space<hbm>> -> memref<4x4096xf32, #tpu.memory_space<hbm>>
      %dma_start3A_820 = arith.constant 0 : i32
      %dma_start3A_821 = tpu.memref_slice %arg2[%add3A_4, %dma_start3A_820, %mul3A_0] : memref<16x4x65536xf32, #tpu.memory_space<hbm>> -> memref<1x4x4096xf32, #tpu.memory_space<hbm>>
      %dma_start3A_822 = tpu.memref_squeeze %dma_start3A_821 : memref<1x4x4096xf32, #tpu.memory_space<hbm>> -> memref<4x4096xf32, #tpu.memory_space<hbm>>
      tpu.enqueue_dma source(%dma_start3A_822 : memref<4x4096xf32, #tpu.memory_space<hbm>>) target(%arg6 : memref<4x4096xf32, #tpu.memory_space<vmem>>) target_semaphore(%run_scoped3A : memref<!tpu.dma_semaphore, #tpu.memory_space<semaphore_mem>>)
      %dma_wait3A = arith.constant 0 : i32
      %dma_wait3A_823 = tpu.memref_slice %arg2[%add3A_4, %dma_wait3A, %mul3A_0] : memref<16x4x65536xf32, #tpu.memory_space<hbm>> -> memref<1x4x4096xf32, #tpu.memory_space<hbm>>
      %dma_wait3A_824 = tpu.memref_squeeze %dma_wait3A_823 : memref<1x4x4096xf32, #tpu.memory_space<hbm>> -> memref<4x4096xf32, #tpu.memory_space<hbm>>
      %dma_wait3A_825 = arith.constant 0 : i32
      %dma_wait3A_826 = tpu.memref_slice %arg2[%add3A_4, %dma_wait3A_825, %mul3A_0] : memref<16x4x65536xf32, #tpu.memory_space<hbm>> -> memref<1x4x4096xf32, #tpu.memory_space<hbm>>
      %dma_wait3A_827 = tpu.memref_squeeze %dma_wait3A_826 : memref<1x4x4096xf32, #tpu.memory_space<hbm>> -> memref<4x4096xf32, #tpu.memory_space<hbm>>
      tpu.wait_dma2 semaphore(%run_scoped3A : memref<!tpu.dma_semaphore, #tpu.memory_space<semaphore_mem>>) src(%dma_wait3A_827 : memref<4x4096xf32, #tpu.memory_space<hbm>>) dst(%arg6 : memref<4x4096xf32, #tpu.memory_space<vmem>>)
      tpu.yield
    }) : () -> ()
    "tpu.region"() ({
      %run_scoped3A = tpu.sem_alloc : memref<!tpu.dma_semaphore, #tpu.memory_space<semaphore_mem>>
      %dma_start3A = arith.constant 0 : i32
      %dma_start3A_818 = tpu.memref_slice %arg3[%add3A_4, %dma_start3A, %mul3A_0] : memref<16x3x65536xf32, #tpu.memory_space<hbm>> -> memref<1x3x4096xf32, #tpu.memory_space<hbm>>
      %dma_start3A_819 = tpu.memref_squeeze %dma_start3A_818 : memref<1x3x4096xf32, #tpu.memory_space<hbm>> -> memref<3x4096xf32, #tpu.memory_space<hbm>>
      %dma_start3A_820 = arith.constant 0 : i32
      %dma_start3A_821 = tpu.memref_slice %arg3[%add3A_4, %dma_start3A_820, %mul3A_0] : memref<16x3x65536xf32, #tpu.memory_space<hbm>> -> memref<1x3x4096xf32, #tpu.memory_space<hbm>>
      %dma_start3A_822 = tpu.memref_squeeze %dma_start3A_821 : memref<1x3x4096xf32, #tpu.memory_space<hbm>> -> memref<3x4096xf32, #tpu.memory_space<hbm>>
      tpu.enqueue_dma source(%dma_start3A_822 : memref<3x4096xf32, #tpu.memory_space<hbm>>) target(%arg7 : memref<3x4096xf32, #tpu.memory_space<vmem>>) target_semaphore(%run_scoped3A : memref<!tpu.dma_semaphore, #tpu.memory_space<semaphore_mem>>)
      %dma_wait3A = arith.constant 0 : i32
      %dma_wait3A_823 = tpu.memref_slice %arg3[%add3A_4, %dma_wait3A, %mul3A_0] : memref<16x3x65536xf32, #tpu.memory_space<hbm>> -> memref<1x3x4096xf32, #tpu.memory_space<hbm>>
      %dma_wait3A_824 = tpu.memref_squeeze %dma_wait3A_823 : memref<1x3x4096xf32, #tpu.memory_space<hbm>> -> memref<3x4096xf32, #tpu.memory_space<hbm>>
      %dma_wait3A_825 = arith.constant 0 : i32
      %dma_wait3A_826 = tpu.memref_slice %arg3[%add3A_4, %dma_wait3A_825, %mul3A_0] : memref<16x3x65536xf32, #tpu.memory_space<hbm>> -> memref<1x3x4096xf32, #tpu.memory_space<hbm>>
      %dma_wait3A_827 = tpu.memref_squeeze %dma_wait3A_826 : memref<1x3x4096xf32, #tpu.memory_space<hbm>> -> memref<3x4096xf32, #tpu.memory_space<hbm>>
      tpu.wait_dma2 semaphore(%run_scoped3A : memref<!tpu.dma_semaphore, #tpu.memory_space<semaphore_mem>>) src(%dma_wait3A_827 : memref<3x4096xf32, #tpu.memory_space<hbm>>) dst(%arg7 : memref<3x4096xf32, #tpu.memory_space<vmem>>)
      tpu.yield
    }) : () -> ()
    "tpu.region"() ({
      %run_scoped3A = tpu.sem_alloc : memref<!tpu.dma_semaphore, #tpu.memory_space<semaphore_mem>>
      %dma_start3A = tpu.memref_slice %arg4[%add3A_4, %mul3A_0] : memref<16x65536xf32, #tpu.memory_space<hbm>> -> memref<1x4096xf32, #tpu.memory_space<hbm>>
      %dma_start3A_818 = tpu.memref_squeeze %dma_start3A : memref<1x4096xf32, #tpu.memory_space<hbm>> -> memref<4096xf32, #tpu.memory_space<hbm>>
      %dma_start3A_819 = tpu.memref_slice %arg4[%add3A_4, %mul3A_0] : memref<16x65536xf32, #tpu.memory_space<hbm>> -> memref<1x4096xf32, #tpu.memory_space<hbm>>
      %dma_start3A_820 = tpu.memref_squeeze %dma_start3A_819 : memref<1x4096xf32, #tpu.memory_space<hbm>> -> memref<4096xf32, #tpu.memory_space<hbm>>
      tpu.enqueue_dma source(%dma_start3A_820 : memref<4096xf32, #tpu.memory_space<hbm>>) target(%arg8 : memref<4096xf32, #tpu.memory_space<vmem>>) target_semaphore(%run_scoped3A : memref<!tpu.dma_semaphore, #tpu.memory_space<semaphore_mem>>)
      %dma_wait3A = tpu.memref_slice %arg4[%add3A_4, %mul3A_0] : memref<16x65536xf32, #tpu.memory_space<hbm>> -> memref<1x4096xf32, #tpu.memory_space<hbm>>
      %dma_wait3A_821 = tpu.memref_squeeze %dma_wait3A : memref<1x4096xf32, #tpu.memory_space<hbm>> -> memref<4096xf32, #tpu.memory_space<hbm>>
      %dma_wait3A_822 = tpu.memref_slice %arg4[%add3A_4, %mul3A_0] : memref<16x65536xf32, #tpu.memory_space<hbm>> -> memref<1x4096xf32, #tpu.memory_space<hbm>>
      %dma_wait3A_823 = tpu.memref_squeeze %dma_wait3A_822 : memref<1x4096xf32, #tpu.memory_space<hbm>> -> memref<4096xf32, #tpu.memory_space<hbm>>
      tpu.wait_dma2 semaphore(%run_scoped3A : memref<!tpu.dma_semaphore, #tpu.memory_space<semaphore_mem>>) src(%dma_wait3A_823 : memref<4096xf32, #tpu.memory_space<hbm>>) dst(%arg8 : memref<4096xf32, #tpu.memory_space<vmem>>)
      tpu.yield
    }) : () -> ()
    %scan3A = arith.constant 0 : i32
    %scan3A_5 = arith.constant 256 : i32
    %scan3A_6 = arith.addi %scan3A, %scan3A_5 : i32
    %scan3A_7 = arith.constant 1 : i32
    %scan3A_8:28 = scf.for %scan3A_818 = %scan3A to %scan3A_6 step %scan3A_7 iter_args(%scan3A_819 = %broadcast_in_dim3A_1, %scan3A_820 = %broadcast_in_dim3A_1, %scan3A_821 = %broadcast_in_dim3A_1, %scan3A_822 = %broadcast_in_dim3A_1, %scan3A_823 = %broadcast_in_dim3A_1, %scan3A_824 = %broadcast_in_dim3A_1, %scan3A_825 = %broadcast_in_dim3A_1, %scan3A_826 = %broadcast_in_dim3A_1, %scan3A_827 = %broadcast_in_dim3A_1, %scan3A_828 = %broadcast_in_dim3A_1, %scan3A_829 = %broadcast_in_dim3A_1, %scan3A_830 = %broadcast_in_dim3A_1, %scan3A_831 = %broadcast_in_dim3A_1, %scan3A_832 = %broadcast_in_dim3A_1, %scan3A_833 = %broadcast_in_dim3A_1, %scan3A_834 = %broadcast_in_dim3A_1, %scan3A_835 = %broadcast_in_dim3A_1, %scan3A_836 = %broadcast_in_dim3A_1, %scan3A_837 = %broadcast_in_dim3A_1, %scan3A_838 = %broadcast_in_dim3A_1, %scan3A_839 = %broadcast_in_dim3A_1, %scan3A_840 = %broadcast_in_dim3A_1, %scan3A_841 = %broadcast_in_dim3A_1, %scan3A_842 = %broadcast_in_dim3A_1, %scan3A_843 = %broadcast_in_dim3A_1, %scan3A_844 = %broadcast_in_dim3A_1, %scan3A_845 = %broadcast_in_dim3A_1, %scan3A_846 = %broadcast_in_dim3A_1) -> (vector<16xf32>, vector<16xf32>, vector<16xf32>, vector<16xf32>, vector<16xf32>, vector<16xf32>, vector<16xf32>, vector<16xf32>, vector<16xf32>, vector<16xf32>, vector<16xf32>, vector<16xf32>, vector<16xf32>, vector<16xf32>, vector<16xf32>, vector<16xf32>, vector<16xf32>, vector<16xf32>, vector<16xf32>, vector<16xf32>, vector<16xf32>, vector<16xf32>, vector<16xf32>, vector<16xf32>, vector<16xf32>, vector<16xf32>, vector<16xf32>, vector<16xf32>)  : i32 {
      %mul3A_847 = arith.constant 16 : i32
      %mul3A_848 = arith.muli %scan3A_818, %mul3A_847 : i32
      %get3A_849 = arith.index_cast %mul3A_848 : i32 to index
      %get3A_850 = tpu.vector_load %arg8[%get3A_849] {strides = array<i32>} : memref<4096xf32, #tpu.memory_space<vmem>>, vector<16xf32>,
      %get3A_851 = arith.constant 0 : i32
      %get3A_852 = arith.index_cast %get3A_851 : i32 to index
      %get3A_853 = arith.index_cast %mul3A_848 : i32 to index
      %get3A_854 = tpu.vector_load %arg7[%get3A_852, %get3A_853] {strides = array<i32>} : memref<3x4096xf32, #tpu.memory_space<vmem>>, vector<16xf32>,
      %get3A_855 = arith.constant 1 : i32
      %get3A_856 = arith.index_cast %get3A_855 : i32 to index
      %get3A_857 = arith.index_cast %mul3A_848 : i32 to index
      %get3A_858 = tpu.vector_load %arg7[%get3A_856, %get3A_857] {strides = array<i32>} : memref<3x4096xf32, #tpu.memory_space<vmem>>, vector<16xf32>,
      %get3A_859 = arith.constant 2 : i32
      %get3A_860 = arith.index_cast %get3A_859 : i32 to index
      %get3A_861 = arith.index_cast %mul3A_848 : i32 to index
      %get3A_862 = tpu.vector_load %arg7[%get3A_860, %get3A_861] {strides = array<i32>} : memref<3x4096xf32, #tpu.memory_space<vmem>>, vector<16xf32>,
      %get3A_863 = arith.constant 0 : i32
      %get3A_864 = arith.index_cast %get3A_863 : i32 to index
      %get3A_865 = arith.index_cast %mul3A_848 : i32 to index
      %get3A_866 = tpu.vector_load %arg6[%get3A_864, %get3A_865] {strides = array<i32>} : memref<4x4096xf32, #tpu.memory_space<vmem>>, vector<16xf32>,
      %mul3A_867 = arith.mulf %get3A_866, %get3A_850 : vector<16xf32>
      %mul3A_868 = arith.mulf %mul3A_867, %get3A_854 : vector<16xf32>
      %mul3A_869 = arith.mulf %mul3A_867, %get3A_858 : vector<16xf32>
      %mul3A_870 = arith.mulf %mul3A_867, %get3A_862 : vector<16xf32>
      %add3A_871 = arith.addf %scan3A_819, %mul3A_867 : vector<16xf32>
      %add3A_872 = arith.addf %scan3A_820, %mul3A_868 : vector<16xf32>
      %add3A_873 = arith.addf %scan3A_821, %mul3A_869 : vector<16xf32>
      %add3A_874 = arith.addf %scan3A_822, %mul3A_870 : vector<16xf32>
      %mul3A_875 = arith.mulf %mul3A_868, %get3A_854 : vector<16xf32>
      %add3A_876 = arith.addf %scan3A_823, %mul3A_875 : vector<16xf32>
      %mul3A_877 = arith.mulf %mul3A_869, %get3A_858 : vector<16xf32>
      %add3A_878 = arith.addf %scan3A_824, %mul3A_877 : vector<16xf32>
      %mul3A_879 = arith.mulf %mul3A_870, %get3A_862 : vector<16xf32>
      %add3A_880 = arith.addf %scan3A_825, %mul3A_879 : vector<16xf32>
      %get3A_881 = arith.constant 1 : i32
      %get3A_882 = arith.index_cast %get3A_881 : i32 to index
      %get3A_883 = arith.index_cast %mul3A_848 : i32 to index
      %get3A_884 = tpu.vector_load %arg6[%get3A_882, %get3A_883] {strides = array<i32>} : memref<4x4096xf32, #tpu.memory_space<vmem>>, vector<16xf32>,
      %mul3A_885 = arith.mulf %get3A_884, %get3A_850 : vector<16xf32>
      %mul3A_886 = arith.mulf %mul3A_885, %get3A_854 : vector<16xf32>
      %mul3A_887 = arith.mulf %mul3A_885, %get3A_858 : vector<16xf32>
      %mul3A_888 = arith.mulf %mul3A_885, %get3A_862 : vector<16xf32>
      %add3A_889 = arith.addf %scan3A_826, %mul3A_885 : vector<16xf32>
      %add3A_890 = arith.addf %scan3A_827, %mul3A_886 : vector<16xf32>
      %add3A_891 = arith.addf %scan3A_828, %mul3A_887 : vector<16xf32>
      %add3A_892 = arith.addf %scan3A_829, %mul3A_888 : vector<16xf32>
      %mul3A_893 = arith.mulf %mul3A_886, %get3A_854 : vector<16xf32>
      %add3A_894 = arith.addf %scan3A_830, %mul3A_893 : vector<16xf32>
      %mul3A_895 = arith.mulf %mul3A_887, %get3A_858 : vector<16xf32>
      %add3A_896 = arith.addf %scan3A_831, %mul3A_895 : vector<16xf32>
      %mul3A_897 = arith.mulf %mul3A_888, %get3A_862 : vector<16xf32>
      %add3A_898 = arith.addf %scan3A_832, %mul3A_897 : vector<16xf32>
      %get3A_899 = arith.constant 2 : i32
      %get3A_900 = arith.index_cast %get3A_899 : i32 to index
      %get3A_901 = arith.index_cast %mul3A_848 : i32 to index
      %get3A_902 = tpu.vector_load %arg6[%get3A_900, %get3A_901] {strides = array<i32>} : memref<4x4096xf32, #tpu.memory_space<vmem>>, vector<16xf32>,
      %mul3A_903 = arith.mulf %get3A_902, %get3A_850 : vector<16xf32>
      %mul3A_904 = arith.mulf %mul3A_903, %get3A_854 : vector<16xf32>
      %mul3A_905 = arith.mulf %mul3A_903, %get3A_858 : vector<16xf32>
      %mul3A_906 = arith.mulf %mul3A_903, %get3A_862 : vector<16xf32>
      %add3A_907 = arith.addf %scan3A_833, %mul3A_903 : vector<16xf32>
      %add3A_908 = arith.addf %scan3A_834, %mul3A_904 : vector<16xf32>
      %add3A_909 = arith.addf %scan3A_835, %mul3A_905 : vector<16xf32>
      %add3A_910 = arith.addf %scan3A_836, %mul3A_906 : vector<16xf32>
      %mul3A_911 = arith.mulf %mul3A_904, %get3A_854 : vector<16xf32>
      %add3A_912 = arith.addf %scan3A_837, %mul3A_911 : vector<16xf32>
      %mul3A_913 = arith.mulf %mul3A_905, %get3A_858 : vector<16xf32>
      %add3A_914 = arith.addf %scan3A_838, %mul3A_913 : vector<16xf32>
      %mul3A_915 = arith.mulf %mul3A_906, %get3A_862 : vector<16xf32>
      %add3A_916 = arith.addf %scan3A_839, %mul3A_915 : vector<16xf32>
      %get3A_917 = arith.constant 3 : i32
      %get3A_918 = arith.index_cast %get3A_917 : i32 to index
      %get3A_919 = arith.index_cast %mul3A_848 : i32 to index
      %get3A_920 = tpu.vector_load %arg6[%get3A_918, %get3A_919] {strides = array<i32>} : memref<4x4096xf32, #tpu.memory_space<vmem>>, vector<16xf32>,
      %mul3A_921 = arith.mulf %get3A_920, %get3A_850 : vector<16xf32>
      %mul3A_922 = arith.mulf %mul3A_921, %get3A_854 : vector<16xf32>
      %mul3A_923 = arith.mulf %mul3A_921, %get3A_858 : vector<16xf32>
      %mul3A_924 = arith.mulf %mul3A_921, %get3A_862 : vector<16xf32>
      %add3A_925 = arith.addf %scan3A_840, %mul3A_921 : vector<16xf32>
      %add3A_926 = arith.addf %scan3A_841, %mul3A_922 : vector<16xf32>
      %add3A_927 = arith.addf %scan3A_842, %mul3A_923 : vector<16xf32>
      %add3A_928 = arith.addf %scan3A_843, %mul3A_924 : vector<16xf32>
      %mul3A_929 = arith.mulf %mul3A_922, %get3A_854 : vector<16xf32>
      %add3A_930 = arith.addf %scan3A_844, %mul3A_929 : vector<16xf32>
      %mul3A_931 = arith.mulf %mul3A_923, %get3A_858 : vector<16xf32>
      %add3A_932 = arith.addf %scan3A_845, %mul3A_931 : vector<16xf32>
      %mul3A_933 = arith.mulf %mul3A_924, %get3A_862 : vector<16xf32>
      %add3A_934 = arith.addf %scan3A_846, %mul3A_933 : vector<16xf32>
      scf.yield %add3A_871, %add3A_872, %add3A_873, %add3A_874, %add3A_876, %add3A_878, %add3A_880, %add3A_889, %add3A_890, %add3A_891, %add3A_892, %add3A_894, %add3A_896, %add3A_898, %add3A_907, %add3A_908, %add3A_909, %add3A_910, %add3A_912, %add3A_914, %add3A_916, %add3A_925, %add3A_926, %add3A_927, %add3A_928, %add3A_930, %add3A_932, %add3A_934 : vector<16xf32>, vector<16xf32>, vector<16xf32>, vector<16xf32>, vector<16xf32>, vector<16xf32>, vector<16xf32>, vector<16xf32>, vector<16xf32>, vector<16xf32>, vector<16xf32>, vector<16xf32>, vector<16xf32>, vector<16xf32>, vector<16xf32>, vector<16xf32>, vector<16xf32>, vector<16xf32>, vector<16xf32>, vector<16xf32>, vector<16xf32>, vector<16xf32>, vector<16xf32>, vector<16xf32>, vector<16xf32>, vector<16xf32>, vector<16xf32>, vector<16xf32>
    }
    %scan3A_9 = arith.constant 256 : i32
    %reduce_sum3A = arith.constant true
    %reduce_sum3A_10 = vector.broadcast %reduce_sum3A : i1 to vector<16xi1>
    %reduce_sum3A_11 = tpu.scan <sum>, %scan3A_8#0 masked %reduce_sum3A_10 : vector<16xf32>, vector<16xi1> -> vector<16xf32>
    %reduce_sum3A_12 = vector.extract %reduce_sum3A_11[15] : f32 from vector<16xf32>
    %iota3A_13 = tpu.iota {dimensions = array<i32: 0>} : vector<16xi32>
    %eq3A = arith.constant 12 : i32
    %eq3A_14 = vector.broadcast %eq3A : i32 to vector<16xi32>
    %eq3A_15 = arith.cmpi eq, %iota3A_13, %eq3A_14 : vector<16xi32>
    %jit3A = arith.constant 0.000000e+00 : f32
    %broadcast_in_dim3A_16 = vector.broadcast %reduce_sum3A_12 : f32 to vector<16xf32>
    %broadcast_in_dim3A_17 = vector.broadcast %jit3A : f32 to vector<16xf32>
    %select_n3A = arith.select %eq3A_15, %broadcast_in_dim3A_16, %broadcast_in_dim3A_17 : vector<16xi1>, vector<16xf32>
    %add3A_18 = arith.addf %broadcast_in_dim3A_1, %select_n3A : vector<16xf32>
    %iota3A_19 = tpu.iota {dimensions = array<i32: 0>} : vector<16xi32>
    %eq3A_20 = arith.constant 0 : i32
    %eq3A_21 = vector.broadcast %eq3A_20 : i32 to vector<16xi32>
    %eq3A_22 = arith.cmpi eq, %iota3A_19, %eq3A_21 : vector<16xi32>
    %reduce_sum3A_23 = arith.constant true
    %reduce_sum3A_24 = vector.broadcast %reduce_sum3A_23 : i1 to vector<16xi1>
    %reduce_sum3A_25 = tpu.scan <sum>, %scan3A_8#1 masked %reduce_sum3A_24 : vector<16xf32>, vector<16xi1> -> vector<16xf32>
    %reduce_sum3A_26 = vector.extract %reduce_sum3A_25[15] : f32 from vector<16xf32>
    %jit3A_27 = arith.constant 0.000000e+00 : f32
    %broadcast_in_dim3A_28 = vector.broadcast %reduce_sum3A_26 : f32 to vector<16xf32>
    %broadcast_in_dim3A_29 = vector.broadcast %jit3A_27 : f32 to vector<16xf32>
    %select_n3A_30 = arith.select %eq3A_22, %broadcast_in_dim3A_28, %broadcast_in_dim3A_29 : vector<16xi1>, vector<16xf32>
    %add3A_31 = arith.addf %add3A_18, %select_n3A_30 : vector<16xf32>
    %iota3A_32 = tpu.iota {dimensions = array<i32: 0>} : vector<16xi32>
    %eq3A_33 = arith.constant 0 : i32
    %eq3A_34 = vector.broadcast %eq3A_33 : i32 to vector<16xi32>
    %eq3A_35 = arith.cmpi eq, %iota3A_32, %eq3A_34 : vector<16xi32>
    %reduce_sum3A_36 = arith.constant true
    %reduce_sum3A_37 = vector.broadcast %reduce_sum3A_36 : i1 to vector<16xi1>
    %reduce_sum3A_38 = tpu.scan <sum>, %scan3A_8#4 masked %reduce_sum3A_37 : vector<16xf32>, vector<16xi1> -> vector<16xf32>
    %reduce_sum3A_39 = vector.extract %reduce_sum3A_38[15] : f32 from vector<16xf32>
    %jit3A_40 = arith.constant 0.000000e+00 : f32
    %broadcast_in_dim3A_41 = vector.broadcast %reduce_sum3A_39 : f32 to vector<16xf32>
    %broadcast_in_dim3A_42 = vector.broadcast %jit3A_40 : f32 to vector<16xf32>
    %select_n3A_43 = arith.select %eq3A_35, %broadcast_in_dim3A_41, %broadcast_in_dim3A_42 : vector<16xi1>, vector<16xf32>
    %add3A_44 = arith.addf %broadcast_in_dim3A_1, %select_n3A_43 : vector<16xf32>
    %iota3A_45 = tpu.iota {dimensions = array<i32: 0>} : vector<16xi32>
    %eq3A_46 = arith.constant 1 : i32
    %eq3A_47 = vector.broadcast %eq3A_46 : i32 to vector<16xi32>
    %eq3A_48 = arith.cmpi eq, %iota3A_45, %eq3A_47 : vector<16xi32>
    %reduce_sum3A_49 = arith.constant true
    %reduce_sum3A_50 = vector.broadcast %reduce_sum3A_49 : i1 to vector<16xi1>
    %reduce_sum3A_51 = tpu.scan <sum>, %scan3A_8#2 masked %reduce_sum3A_50 : vector<16xf32>, vector<16xi1> -> vector<16xf32>
    %reduce_sum3A_52 = vector.extract %reduce_sum3A_51[15] : f32 from vector<16xf32>
    %jit3A_53 = arith.constant 0.000000e+00 : f32
    %broadcast_in_dim3A_54 = vector.broadcast %reduce_sum3A_52 : f32 to vector<16xf32>
    %broadcast_in_dim3A_55 = vector.broadcast %jit3A_53 : f32 to vector<16xf32>
    %select_n3A_56 = arith.select %eq3A_48, %broadcast_in_dim3A_54, %broadcast_in_dim3A_55 : vector<16xi1>, vector<16xf32>
    %add3A_57 = arith.addf %add3A_31, %select_n3A_56 : vector<16xf32>
    %iota3A_58 = tpu.iota {dimensions = array<i32: 0>} : vector<16xi32>
    %eq3A_59 = arith.constant 1 : i32
    %eq3A_60 = vector.broadcast %eq3A_59 : i32 to vector<16xi32>
    %eq3A_61 = arith.cmpi eq, %iota3A_58, %eq3A_60 : vector<16xi32>
    %reduce_sum3A_62 = arith.constant true
    %reduce_sum3A_63 = vector.broadcast %reduce_sum3A_62 : i1 to vector<16xi1>
    %reduce_sum3A_64 = tpu.scan <sum>, %scan3A_8#5 masked %reduce_sum3A_63 : vector<16xf32>, vector<16xi1> -> vector<16xf32>
    %reduce_sum3A_65 = vector.extract %reduce_sum3A_64[15] : f32 from vector<16xf32>
    %jit3A_66 = arith.constant 0.000000e+00 : f32
    %broadcast_in_dim3A_67 = vector.broadcast %reduce_sum3A_65 : f32 to vector<16xf32>
    %broadcast_in_dim3A_68 = vector.broadcast %jit3A_66 : f32 to vector<16xf32>
    %select_n3A_69 = arith.select %eq3A_61, %broadcast_in_dim3A_67, %broadcast_in_dim3A_68 : vector<16xi1>, vector<16xf32>
    %add3A_70 = arith.addf %add3A_44, %select_n3A_69 : vector<16xf32>
    %iota3A_71 = tpu.iota {dimensions = array<i32: 0>} : vector<16xi32>
    %eq3A_72 = arith.constant 2 : i32
    %eq3A_73 = vector.broadcast %eq3A_72 : i32 to vector<16xi32>
    %eq3A_74 = arith.cmpi eq, %iota3A_71, %eq3A_73 : vector<16xi32>
    %reduce_sum3A_75 = arith.constant true
    %reduce_sum3A_76 = vector.broadcast %reduce_sum3A_75 : i1 to vector<16xi1>
    %reduce_sum3A_77 = tpu.scan <sum>, %scan3A_8#3 masked %reduce_sum3A_76 : vector<16xf32>, vector<16xi1> -> vector<16xf32>
    %reduce_sum3A_78 = vector.extract %reduce_sum3A_77[15] : f32 from vector<16xf32>
    %jit3A_79 = arith.constant 0.000000e+00 : f32
    %broadcast_in_dim3A_80 = vector.broadcast %reduce_sum3A_78 : f32 to vector<16xf32>
    %broadcast_in_dim3A_81 = vector.broadcast %jit3A_79 : f32 to vector<16xf32>
    %select_n3A_82 = arith.select %eq3A_74, %broadcast_in_dim3A_80, %broadcast_in_dim3A_81 : vector<16xi1>, vector<16xf32>
    %add3A_83 = arith.addf %add3A_57, %select_n3A_82 : vector<16xf32>
    %iota3A_84 = tpu.iota {dimensions = array<i32: 0>} : vector<16xi32>
    %eq3A_85 = arith.constant 2 : i32
    %eq3A_86 = vector.broadcast %eq3A_85 : i32 to vector<16xi32>
    %eq3A_87 = arith.cmpi eq, %iota3A_84, %eq3A_86 : vector<16xi32>
    %reduce_sum3A_88 = arith.constant true
    %reduce_sum3A_89 = vector.broadcast %reduce_sum3A_88 : i1 to vector<16xi1>
    %reduce_sum3A_90 = tpu.scan <sum>, %scan3A_8#6 masked %reduce_sum3A_89 : vector<16xf32>, vector<16xi1> -> vector<16xf32>
    %reduce_sum3A_91 = vector.extract %reduce_sum3A_90[15] : f32 from vector<16xf32>
    %jit3A_92 = arith.constant 0.000000e+00 : f32
    %broadcast_in_dim3A_93 = vector.broadcast %reduce_sum3A_91 : f32 to vector<16xf32>
    %broadcast_in_dim3A_94 = vector.broadcast %jit3A_92 : f32 to vector<16xf32>
    %select_n3A_95 = arith.select %eq3A_87, %broadcast_in_dim3A_93, %broadcast_in_dim3A_94 : vector<16xi1>, vector<16xf32>
    %add3A_96 = arith.addf %add3A_70, %select_n3A_95 : vector<16xf32>
    %reduce_sum3A_97 = arith.constant true
    %reduce_sum3A_98 = vector.broadcast %reduce_sum3A_97 : i1 to vector<16xi1>
    %reduce_sum3A_99 = tpu.scan <sum>, %scan3A_8#7 masked %reduce_sum3A_98 : vector<16xf32>, vector<16xi1> -> vector<16xf32>
    %reduce_sum3A_100 = vector.extract %reduce_sum3A_99[15] : f32 from vector<16xf32>
    %iota3A_101 = tpu.iota {dimensions = array<i32: 0>} : vector<16xi32>
    %eq3A_102 = arith.constant 13 : i32
    %eq3A_103 = vector.broadcast %eq3A_102 : i32 to vector<16xi32>
    %eq3A_104 = arith.cmpi eq, %iota3A_101, %eq3A_103 : vector<16xi32>
    %jit3A_105 = arith.constant 0.000000e+00 : f32
    %broadcast_in_dim3A_106 = vector.broadcast %reduce_sum3A_100 : f32 to vector<16xf32>
    %broadcast_in_dim3A_107 = vector.broadcast %jit3A_105 : f32 to vector<16xf32>
    %select_n3A_108 = arith.select %eq3A_104, %broadcast_in_dim3A_106, %broadcast_in_dim3A_107 : vector<16xi1>, vector<16xf32>
    %add3A_109 = arith.addf %add3A_83, %select_n3A_108 : vector<16xf32>
    %iota3A_110 = tpu.iota {dimensions = array<i32: 0>} : vector<16xi32>
    %eq3A_111 = arith.constant 3 : i32
    %eq3A_112 = vector.broadcast %eq3A_111 : i32 to vector<16xi32>
    %eq3A_113 = arith.cmpi eq, %iota3A_110, %eq3A_112 : vector<16xi32>
    %reduce_sum3A_114 = arith.constant true
    %reduce_sum3A_115 = vector.broadcast %reduce_sum3A_114 : i1 to vector<16xi1>
    %reduce_sum3A_116 = tpu.scan <sum>, %scan3A_8#8 masked %reduce_sum3A_115 : vector<16xf32>, vector<16xi1> -> vector<16xf32>
    %reduce_sum3A_117 = vector.extract %reduce_sum3A_116[15] : f32 from vector<16xf32>
    %jit3A_118 = arith.constant 0.000000e+00 : f32
    %broadcast_in_dim3A_119 = vector.broadcast %reduce_sum3A_117 : f32 to vector<16xf32>
    %broadcast_in_dim3A_120 = vector.broadcast %jit3A_118 : f32 to vector<16xf32>
    %select_n3A_121 = arith.select %eq3A_113, %broadcast_in_dim3A_119, %broadcast_in_dim3A_120 : vector<16xi1>, vector<16xf32>
    %add3A_122 = arith.addf %add3A_109, %select_n3A_121 : vector<16xf32>
    %iota3A_123 = tpu.iota {dimensions = array<i32: 0>} : vector<16xi32>
    %eq3A_124 = arith.constant 3 : i32
    %eq3A_125 = vector.broadcast %eq3A_124 : i32 to vector<16xi32>
    %eq3A_126 = arith.cmpi eq, %iota3A_123, %eq3A_125 : vector<16xi32>
    %reduce_sum3A_127 = arith.constant true
    %reduce_sum3A_128 = vector.broadcast %reduce_sum3A_127 : i1 to vector<16xi1>
    %reduce_sum3A_129 = tpu.scan <sum>, %scan3A_8#11 masked %reduce_sum3A_128 : vector<16xf32>, vector<16xi1> -> vector<16xf32>
    %reduce_sum3A_130 = vector.extract %reduce_sum3A_129[15] : f32 from vector<16xf32>
    %jit3A_131 = arith.constant 0.000000e+00 : f32
    %broadcast_in_dim3A_132 = vector.broadcast %reduce_sum3A_130 : f32 to vector<16xf32>
    %broadcast_in_dim3A_133 = vector.broadcast %jit3A_131 : f32 to vector<16xf32>
    %select_n3A_134 = arith.select %eq3A_126, %broadcast_in_dim3A_132, %broadcast_in_dim3A_133 : vector<16xi1>, vector<16xf32>
    %add3A_135 = arith.addf %add3A_96, %select_n3A_134 : vector<16xf32>
    %iota3A_136 = tpu.iota {dimensions = array<i32: 0>} : vector<16xi32>
    %eq3A_137 = arith.constant 4 : i32
    %eq3A_138 = vector.broadcast %eq3A_137 : i32 to vector<16xi32>
    %eq3A_139 = arith.cmpi eq, %iota3A_136, %eq3A_138 : vector<16xi32>
    %reduce_sum3A_140 = arith.constant true
    %reduce_sum3A_141 = vector.broadcast %reduce_sum3A_140 : i1 to vector<16xi1>
    %reduce_sum3A_142 = tpu.scan <sum>, %scan3A_8#9 masked %reduce_sum3A_141 : vector<16xf32>, vector<16xi1> -> vector<16xf32>
    %reduce_sum3A_143 = vector.extract %reduce_sum3A_142[15] : f32 from vector<16xf32>
    %jit3A_144 = arith.constant 0.000000e+00 : f32
    %broadcast_in_dim3A_145 = vector.broadcast %reduce_sum3A_143 : f32 to vector<16xf32>
    %broadcast_in_dim3A_146 = vector.broadcast %jit3A_144 : f32 to vector<16xf32>
    %select_n3A_147 = arith.select %eq3A_139, %broadcast_in_dim3A_145, %broadcast_in_dim3A_146 : vector<16xi1>, vector<16xf32>
    %add3A_148 = arith.addf %add3A_122, %select_n3A_147 : vector<16xf32>
    %iota3A_149 = tpu.iota {dimensions = array<i32: 0>} : vector<16xi32>
    %eq3A_150 = arith.constant 4 : i32
    %eq3A_151 = vector.broadcast %eq3A_150 : i32 to vector<16xi32>
    %eq3A_152 = arith.cmpi eq, %iota3A_149, %eq3A_151 : vector<16xi32>
    %reduce_sum3A_153 = arith.constant true
    %reduce_sum3A_154 = vector.broadcast %reduce_sum3A_153 : i1 to vector<16xi1>
    %reduce_sum3A_155 = tpu.scan <sum>, %scan3A_8#12 masked %reduce_sum3A_154 : vector<16xf32>, vector<16xi1> -> vector<16xf32>
    %reduce_sum3A_156 = vector.extract %reduce_sum3A_155[15] : f32 from vector<16xf32>
    %jit3A_157 = arith.constant 0.000000e+00 : f32
    %broadcast_in_dim3A_158 = vector.broadcast %reduce_sum3A_156 : f32 to vector<16xf32>
    %broadcast_in_dim3A_159 = vector.broadcast %jit3A_157 : f32 to vector<16xf32>
    %select_n3A_160 = arith.select %eq3A_152, %broadcast_in_dim3A_158, %broadcast_in_dim3A_159 : vector<16xi1>, vector<16xf32>
    %add3A_161 = arith.addf %add3A_135, %select_n3A_160 : vector<16xf32>
    %iota3A_162 = tpu.iota {dimensions = array<i32: 0>} : vector<16xi32>
    %eq3A_163 = arith.constant 5 : i32
    %eq3A_164 = vector.broadcast %eq3A_163 : i32 to vector<16xi32>
    %eq3A_165 = arith.cmpi eq, %iota3A_162, %eq3A_164 : vector<16xi32>
    %reduce_sum3A_166 = arith.constant true
    %reduce_sum3A_167 = vector.broadcast %reduce_sum3A_166 : i1 to vector<16xi1>
    %reduce_sum3A_168 = tpu.scan <sum>, %scan3A_8#10 masked %reduce_sum3A_167 : vector<16xf32>, vector<16xi1> -> vector<16xf32>
    %reduce_sum3A_169 = vector.extract %reduce_sum3A_168[15] : f32 from vector<16xf32>
    %jit3A_170 = arith.constant 0.000000e+00 : f32
    %broadcast_in_dim3A_171 = vector.broadcast %reduce_sum3A_169 : f32 to vector<16xf32>
    %broadcast_in_dim3A_172 = vector.broadcast %jit3A_170 : f32 to vector<16xf32>
    %select_n3A_173 = arith.select %eq3A_165, %broadcast_in_dim3A_171, %broadcast_in_dim3A_172 : vector<16xi1>, vector<16xf32>
    %add3A_174 = arith.addf %add3A_148, %select_n3A_173 : vector<16xf32>
    %iota3A_175 = tpu.iota {dimensions = array<i32: 0>} : vector<16xi32>
    %eq3A_176 = arith.constant 5 : i32
    %eq3A_177 = vector.broadcast %eq3A_176 : i32 to vector<16xi32>
    %eq3A_178 = arith.cmpi eq, %iota3A_175, %eq3A_177 : vector<16xi32>
    %reduce_sum3A_179 = arith.constant true
    %reduce_sum3A_180 = vector.broadcast %reduce_sum3A_179 : i1 to vector<16xi1>
    %reduce_sum3A_181 = tpu.scan <sum>, %scan3A_8#13 masked %reduce_sum3A_180 : vector<16xf32>, vector<16xi1> -> vector<16xf32>
    %reduce_sum3A_182 = vector.extract %reduce_sum3A_181[15] : f32 from vector<16xf32>
    %jit3A_183 = arith.constant 0.000000e+00 : f32
    %broadcast_in_dim3A_184 = vector.broadcast %reduce_sum3A_182 : f32 to vector<16xf32>
    %broadcast_in_dim3A_185 = vector.broadcast %jit3A_183 : f32 to vector<16xf32>
    %select_n3A_186 = arith.select %eq3A_178, %broadcast_in_dim3A_184, %broadcast_in_dim3A_185 : vector<16xi1>, vector<16xf32>
    %add3A_187 = arith.addf %add3A_161, %select_n3A_186 : vector<16xf32>
    %reduce_sum3A_188 = arith.constant true
    %reduce_sum3A_189 = vector.broadcast %reduce_sum3A_188 : i1 to vector<16xi1>
    %reduce_sum3A_190 = tpu.scan <sum>, %scan3A_8#14 masked %reduce_sum3A_189 : vector<16xf32>, vector<16xi1> -> vector<16xf32>
    %reduce_sum3A_191 = vector.extract %reduce_sum3A_190[15] : f32 from vector<16xf32>
    %iota3A_192 = tpu.iota {dimensions = array<i32: 0>} : vector<16xi32>
    %eq3A_193 = arith.constant 14 : i32
    %eq3A_194 = vector.broadcast %eq3A_193 : i32 to vector<16xi32>
    %eq3A_195 = arith.cmpi eq, %iota3A_192, %eq3A_194 : vector<16xi32>
    %jit3A_196 = arith.constant 0.000000e+00 : f32
    %broadcast_in_dim3A_197 = vector.broadcast %reduce_sum3A_191 : f32 to vector<16xf32>
    %broadcast_in_dim3A_198 = vector.broadcast %jit3A_196 : f32 to vector<16xf32>
    %select_n3A_199 = arith.select %eq3A_195, %broadcast_in_dim3A_197, %broadcast_in_dim3A_198 : vector<16xi1>, vector<16xf32>
    %add3A_200 = arith.addf %add3A_174, %select_n3A_199 : vector<16xf32>
    %iota3A_201 = tpu.iota {dimensions = array<i32: 0>} : vector<16xi32>
    %eq3A_202 = arith.constant 6 : i32
    %eq3A_203 = vector.broadcast %eq3A_202 : i32 to vector<16xi32>
    %eq3A_204 = arith.cmpi eq, %iota3A_201, %eq3A_203 : vector<16xi32>
    %reduce_sum3A_205 = arith.constant true
    %reduce_sum3A_206 = vector.broadcast %reduce_sum3A_205 : i1 to vector<16xi1>
    %reduce_sum3A_207 = tpu.scan <sum>, %scan3A_8#15 masked %reduce_sum3A_206 : vector<16xf32>, vector<16xi1> -> vector<16xf32>
    %reduce_sum3A_208 = vector.extract %reduce_sum3A_207[15] : f32 from vector<16xf32>
    %jit3A_209 = arith.constant 0.000000e+00 : f32
    %broadcast_in_dim3A_210 = vector.broadcast %reduce_sum3A_208 : f32 to vector<16xf32>
    %broadcast_in_dim3A_211 = vector.broadcast %jit3A_209 : f32 to vector<16xf32>
    %select_n3A_212 = arith.select %eq3A_204, %broadcast_in_dim3A_210, %broadcast_in_dim3A_211 : vector<16xi1>, vector<16xf32>
    %add3A_213 = arith.addf %add3A_200, %select_n3A_212 : vector<16xf32>
    %iota3A_214 = tpu.iota {dimensions = array<i32: 0>} : vector<16xi32>
    %eq3A_215 = arith.constant 6 : i32
    %eq3A_216 = vector.broadcast %eq3A_215 : i32 to vector<16xi32>
    %eq3A_217 = arith.cmpi eq, %iota3A_214, %eq3A_216 : vector<16xi32>
    %reduce_sum3A_218 = arith.constant true
    %reduce_sum3A_219 = vector.broadcast %reduce_sum3A_218 : i1 to vector<16xi1>
    %reduce_sum3A_220 = tpu.scan <sum>, %scan3A_8#18 masked %reduce_sum3A_219 : vector<16xf32>, vector<16xi1> -> vector<16xf32>
    %reduce_sum3A_221 = vector.extract %reduce_sum3A_220[15] : f32 from vector<16xf32>
    %jit3A_222 = arith.constant 0.000000e+00 : f32
    %broadcast_in_dim3A_223 = vector.broadcast %reduce_sum3A_221 : f32 to vector<16xf32>
    %broadcast_in_dim3A_224 = vector.broadcast %jit3A_222 : f32 to vector<16xf32>
    %select_n3A_225 = arith.select %eq3A_217, %broadcast_in_dim3A_223, %broadcast_in_dim3A_224 : vector<16xi1>, vector<16xf32>
    %add3A_226 = arith.addf %add3A_187, %select_n3A_225 : vector<16xf32>
    %iota3A_227 = tpu.iota {dimensions = array<i32: 0>} : vector<16xi32>
    %eq3A_228 = arith.constant 7 : i32
    %eq3A_229 = vector.broadcast %eq3A_228 : i32 to vector<16xi32>
    %eq3A_230 = arith.cmpi eq, %iota3A_227, %eq3A_229 : vector<16xi32>
    %reduce_sum3A_231 = arith.constant true
    %reduce_sum3A_232 = vector.broadcast %reduce_sum3A_231 : i1 to vector<16xi1>
    %reduce_sum3A_233 = tpu.scan <sum>, %scan3A_8#16 masked %reduce_sum3A_232 : vector<16xf32>, vector<16xi1> -> vector<16xf32>
    %reduce_sum3A_234 = vector.extract %reduce_sum3A_233[15] : f32 from vector<16xf32>
    %jit3A_235 = arith.constant 0.000000e+00 : f32
    %broadcast_in_dim3A_236 = vector.broadcast %reduce_sum3A_234 : f32 to vector<16xf32>
    %broadcast_in_dim3A_237 = vector.broadcast %jit3A_235 : f32 to vector<16xf32>
    %select_n3A_238 = arith.select %eq3A_230, %broadcast_in_dim3A_236, %broadcast_in_dim3A_237 : vector<16xi1>, vector<16xf32>
    %add3A_239 = arith.addf %add3A_213, %select_n3A_238 : vector<16xf32>
    %iota3A_240 = tpu.iota {dimensions = array<i32: 0>} : vector<16xi32>
    %eq3A_241 = arith.constant 7 : i32
    %eq3A_242 = vector.broadcast %eq3A_241 : i32 to vector<16xi32>
    %eq3A_243 = arith.cmpi eq, %iota3A_240, %eq3A_242 : vector<16xi32>
    %reduce_sum3A_244 = arith.constant true
    %reduce_sum3A_245 = vector.broadcast %reduce_sum3A_244 : i1 to vector<16xi1>
    %reduce_sum3A_246 = tpu.scan <sum>, %scan3A_8#19 masked %reduce_sum3A_245 : vector<16xf32>, vector<16xi1> -> vector<16xf32>
    %reduce_sum3A_247 = vector.extract %reduce_sum3A_246[15] : f32 from vector<16xf32>
    %jit3A_248 = arith.constant 0.000000e+00 : f32
    %broadcast_in_dim3A_249 = vector.broadcast %reduce_sum3A_247 : f32 to vector<16xf32>
    %broadcast_in_dim3A_250 = vector.broadcast %jit3A_248 : f32 to vector<16xf32>
    %select_n3A_251 = arith.select %eq3A_243, %broadcast_in_dim3A_249, %broadcast_in_dim3A_250 : vector<16xi1>, vector<16xf32>
    %add3A_252 = arith.addf %add3A_226, %select_n3A_251 : vector<16xf32>
    %iota3A_253 = tpu.iota {dimensions = array<i32: 0>} : vector<16xi32>
    %eq3A_254 = arith.constant 8 : i32
    %eq3A_255 = vector.broadcast %eq3A_254 : i32 to vector<16xi32>
    %eq3A_256 = arith.cmpi eq, %iota3A_253, %eq3A_255 : vector<16xi32>
    %reduce_sum3A_257 = arith.constant true
    %reduce_sum3A_258 = vector.broadcast %reduce_sum3A_257 : i1 to vector<16xi1>
    %reduce_sum3A_259 = tpu.scan <sum>, %scan3A_8#17 masked %reduce_sum3A_258 : vector<16xf32>, vector<16xi1> -> vector<16xf32>
    %reduce_sum3A_260 = vector.extract %reduce_sum3A_259[15] : f32 from vector<16xf32>
    %jit3A_261 = arith.constant 0.000000e+00 : f32
    %broadcast_in_dim3A_262 = vector.broadcast %reduce_sum3A_260 : f32 to vector<16xf32>
    %broadcast_in_dim3A_263 = vector.broadcast %jit3A_261 : f32 to vector<16xf32>
    %select_n3A_264 = arith.select %eq3A_256, %broadcast_in_dim3A_262, %broadcast_in_dim3A_263 : vector<16xi1>, vector<16xf32>
    %add3A_265 = arith.addf %add3A_239, %select_n3A_264 : vector<16xf32>
    %iota3A_266 = tpu.iota {dimensions = array<i32: 0>} : vector<16xi32>
    %eq3A_267 = arith.constant 8 : i32
    %eq3A_268 = vector.broadcast %eq3A_267 : i32 to vector<16xi32>
    %eq3A_269 = arith.cmpi eq, %iota3A_266, %eq3A_268 : vector<16xi32>
    %reduce_sum3A_270 = arith.constant true
    %reduce_sum3A_271 = vector.broadcast %reduce_sum3A_270 : i1 to vector<16xi1>
    %reduce_sum3A_272 = tpu.scan <sum>, %scan3A_8#20 masked %reduce_sum3A_271 : vector<16xf32>, vector<16xi1> -> vector<16xf32>
    %reduce_sum3A_273 = vector.extract %reduce_sum3A_272[15] : f32 from vector<16xf32>
    %jit3A_274 = arith.constant 0.000000e+00 : f32
    %broadcast_in_dim3A_275 = vector.broadcast %reduce_sum3A_273 : f32 to vector<16xf32>
    %broadcast_in_dim3A_276 = vector.broadcast %jit3A_274 : f32 to vector<16xf32>
    %select_n3A_277 = arith.select %eq3A_269, %broadcast_in_dim3A_275, %broadcast_in_dim3A_276 : vector<16xi1>, vector<16xf32>
    %add3A_278 = arith.addf %add3A_252, %select_n3A_277 : vector<16xf32>
    %reduce_sum3A_279 = arith.constant true
    %reduce_sum3A_280 = vector.broadcast %reduce_sum3A_279 : i1 to vector<16xi1>
    %reduce_sum3A_281 = tpu.scan <sum>, %scan3A_8#21 masked %reduce_sum3A_280 : vector<16xf32>, vector<16xi1> -> vector<16xf32>
    %reduce_sum3A_282 = vector.extract %reduce_sum3A_281[15] : f32 from vector<16xf32>
    %iota3A_283 = tpu.iota {dimensions = array<i32: 0>} : vector<16xi32>
    %eq3A_284 = arith.constant 15 : i32
    %eq3A_285 = vector.broadcast %eq3A_284 : i32 to vector<16xi32>
    %eq3A_286 = arith.cmpi eq, %iota3A_283, %eq3A_285 : vector<16xi32>
    %jit3A_287 = arith.constant 0.000000e+00 : f32
    %broadcast_in_dim3A_288 = vector.broadcast %reduce_sum3A_282 : f32 to vector<16xf32>
    %broadcast_in_dim3A_289 = vector.broadcast %jit3A_287 : f32 to vector<16xf32>
    %select_n3A_290 = arith.select %eq3A_286, %broadcast_in_dim3A_288, %broadcast_in_dim3A_289 : vector<16xi1>, vector<16xf32>
    %add3A_291 = arith.addf %add3A_265, %select_n3A_290 : vector<16xf32>
    %iota3A_292 = tpu.iota {dimensions = array<i32: 0>} : vector<16xi32>
    %eq3A_293 = arith.constant 9 : i32
    %eq3A_294 = vector.broadcast %eq3A_293 : i32 to vector<16xi32>
    %eq3A_295 = arith.cmpi eq, %iota3A_292, %eq3A_294 : vector<16xi32>
    %reduce_sum3A_296 = arith.constant true
    %reduce_sum3A_297 = vector.broadcast %reduce_sum3A_296 : i1 to vector<16xi1>
    %reduce_sum3A_298 = tpu.scan <sum>, %scan3A_8#22 masked %reduce_sum3A_297 : vector<16xf32>, vector<16xi1> -> vector<16xf32>
    %reduce_sum3A_299 = vector.extract %reduce_sum3A_298[15] : f32 from vector<16xf32>
    %jit3A_300 = arith.constant 0.000000e+00 : f32
    %broadcast_in_dim3A_301 = vector.broadcast %reduce_sum3A_299 : f32 to vector<16xf32>
    %broadcast_in_dim3A_302 = vector.broadcast %jit3A_300 : f32 to vector<16xf32>
    %select_n3A_303 = arith.select %eq3A_295, %broadcast_in_dim3A_301, %broadcast_in_dim3A_302 : vector<16xi1>, vector<16xf32>
    %add3A_304 = arith.addf %add3A_291, %select_n3A_303 : vector<16xf32>
    %iota3A_305 = tpu.iota {dimensions = array<i32: 0>} : vector<16xi32>
    %eq3A_306 = arith.constant 9 : i32
    %eq3A_307 = vector.broadcast %eq3A_306 : i32 to vector<16xi32>
    %eq3A_308 = arith.cmpi eq, %iota3A_305, %eq3A_307 : vector<16xi32>
    %reduce_sum3A_309 = arith.constant true
    %reduce_sum3A_310 = vector.broadcast %reduce_sum3A_309 : i1 to vector<16xi1>
    %reduce_sum3A_311 = tpu.scan <sum>, %scan3A_8#25 masked %reduce_sum3A_310 : vector<16xf32>, vector<16xi1> -> vector<16xf32>
    %reduce_sum3A_312 = vector.extract %reduce_sum3A_311[15] : f32 from vector<16xf32>
    %jit3A_313 = arith.constant 0.000000e+00 : f32
    %broadcast_in_dim3A_314 = vector.broadcast %reduce_sum3A_312 : f32 to vector<16xf32>
    %broadcast_in_dim3A_315 = vector.broadcast %jit3A_313 : f32 to vector<16xf32>
    %select_n3A_316 = arith.select %eq3A_308, %broadcast_in_dim3A_314, %broadcast_in_dim3A_315 : vector<16xi1>, vector<16xf32>
    %add3A_317 = arith.addf %add3A_278, %select_n3A_316 : vector<16xf32>
    %iota3A_318 = tpu.iota {dimensions = array<i32: 0>} : vector<16xi32>
    %eq3A_319 = arith.constant 10 : i32
    %eq3A_320 = vector.broadcast %eq3A_319 : i32 to vector<16xi32>
    %eq3A_321 = arith.cmpi eq, %iota3A_318, %eq3A_320 : vector<16xi32>
    %reduce_sum3A_322 = arith.constant true
    %reduce_sum3A_323 = vector.broadcast %reduce_sum3A_322 : i1 to vector<16xi1>
    %reduce_sum3A_324 = tpu.scan <sum>, %scan3A_8#23 masked %reduce_sum3A_323 : vector<16xf32>, vector<16xi1> -> vector<16xf32>
    %reduce_sum3A_325 = vector.extract %reduce_sum3A_324[15] : f32 from vector<16xf32>
    %jit3A_326 = arith.constant 0.000000e+00 : f32
    %broadcast_in_dim3A_327 = vector.broadcast %reduce_sum3A_325 : f32 to vector<16xf32>
    %broadcast_in_dim3A_328 = vector.broadcast %jit3A_326 : f32 to vector<16xf32>
    %select_n3A_329 = arith.select %eq3A_321, %broadcast_in_dim3A_327, %broadcast_in_dim3A_328 : vector<16xi1>, vector<16xf32>
    %add3A_330 = arith.addf %add3A_304, %select_n3A_329 : vector<16xf32>
    %iota3A_331 = tpu.iota {dimensions = array<i32: 0>} : vector<16xi32>
    %eq3A_332 = arith.constant 10 : i32
    %eq3A_333 = vector.broadcast %eq3A_332 : i32 to vector<16xi32>
    %eq3A_334 = arith.cmpi eq, %iota3A_331, %eq3A_333 : vector<16xi32>
    %reduce_sum3A_335 = arith.constant true
    %reduce_sum3A_336 = vector.broadcast %reduce_sum3A_335 : i1 to vector<16xi1>
    %reduce_sum3A_337 = tpu.scan <sum>, %scan3A_8#26 masked %reduce_sum3A_336 : vector<16xf32>, vector<16xi1> -> vector<16xf32>
    %reduce_sum3A_338 = vector.extract %reduce_sum3A_337[15] : f32 from vector<16xf32>
    %jit3A_339 = arith.constant 0.000000e+00 : f32
    %broadcast_in_dim3A_340 = vector.broadcast %reduce_sum3A_338 : f32 to vector<16xf32>
    %broadcast_in_dim3A_341 = vector.broadcast %jit3A_339 : f32 to vector<16xf32>
    %select_n3A_342 = arith.select %eq3A_334, %broadcast_in_dim3A_340, %broadcast_in_dim3A_341 : vector<16xi1>, vector<16xf32>
    %add3A_343 = arith.addf %add3A_317, %select_n3A_342 : vector<16xf32>
    %iota3A_344 = tpu.iota {dimensions = array<i32: 0>} : vector<16xi32>
    %eq3A_345 = arith.constant 11 : i32
    %eq3A_346 = vector.broadcast %eq3A_345 : i32 to vector<16xi32>
    %eq3A_347 = arith.cmpi eq, %iota3A_344, %eq3A_346 : vector<16xi32>
    %reduce_sum3A_348 = arith.constant true
    %reduce_sum3A_349 = vector.broadcast %reduce_sum3A_348 : i1 to vector<16xi1>
    %reduce_sum3A_350 = tpu.scan <sum>, %scan3A_8#24 masked %reduce_sum3A_349 : vector<16xf32>, vector<16xi1> -> vector<16xf32>
    %reduce_sum3A_351 = vector.extract %reduce_sum3A_350[15] : f32 from vector<16xf32>
    %jit3A_352 = arith.constant 0.000000e+00 : f32
    %broadcast_in_dim3A_353 = vector.broadcast %reduce_sum3A_351 : f32 to vector<16xf32>
    %broadcast_in_dim3A_354 = vector.broadcast %jit3A_352 : f32 to vector<16xf32>
    %select_n3A_355 = arith.select %eq3A_347, %broadcast_in_dim3A_353, %broadcast_in_dim3A_354 : vector<16xi1>, vector<16xf32>
    %add3A_356 = arith.addf %add3A_330, %select_n3A_355 : vector<16xf32>
    %iota3A_357 = tpu.iota {dimensions = array<i32: 0>} : vector<16xi32>
    %eq3A_358 = arith.constant 11 : i32
    %eq3A_359 = vector.broadcast %eq3A_358 : i32 to vector<16xi32>
    %eq3A_360 = arith.cmpi eq, %iota3A_357, %eq3A_359 : vector<16xi32>
    %reduce_sum3A_361 = arith.constant true
    %reduce_sum3A_362 = vector.broadcast %reduce_sum3A_361 : i1 to vector<16xi1>
    %reduce_sum3A_363 = tpu.scan <sum>, %scan3A_8#27 masked %reduce_sum3A_362 : vector<16xf32>, vector<16xi1> -> vector<16xf32>
    %reduce_sum3A_364 = vector.extract %reduce_sum3A_363[15] : f32 from vector<16xf32>
    %jit3A_365 = arith.constant 0.000000e+00 : f32
    %broadcast_in_dim3A_366 = vector.broadcast %reduce_sum3A_364 : f32 to vector<16xf32>
    %broadcast_in_dim3A_367 = vector.broadcast %jit3A_365 : f32 to vector<16xf32>
    %select_n3A_368 = arith.select %eq3A_360, %broadcast_in_dim3A_366, %broadcast_in_dim3A_367 : vector<16xi1>, vector<16xf32>
    %add3A_369 = arith.addf %add3A_343, %select_n3A_368 : vector<16xf32>
    %swap3A = arith.constant 0 : index
    %swap3A_370 = tpu.vector_load %arg9[%swap3A] {strides = array<i32>} : memref<48xf32, #tpu.memory_space<vmem>>, vector<16xf32>,
    tpu.vector_store %arg9[%swap3A], %add3A_356 {strides = array<i32>} : memref<48xf32, #tpu.memory_space<vmem>>, vector<16xf32>,
    %swap3A_371 = arith.constant 16 : index
    %swap3A_372 = tpu.vector_load %arg9[%swap3A_371] {strides = array<i32>} : memref<48xf32, #tpu.memory_space<vmem>>, vector<16xf32>,
    tpu.vector_store %arg9[%swap3A_371], %add3A_369 {strides = array<i32>} : memref<48xf32, #tpu.memory_space<vmem>>, vector<16xf32>,
    "tpu.region"() ({
      %run_scoped3A = tpu.sem_alloc : memref<!tpu.dma_semaphore, #tpu.memory_space<semaphore_mem>>
      %dma_start3A = arith.constant 0 : i32
      %dma_start3A_818 = tpu.memref_slice %arg9[%dma_start3A] : memref<48xf32, #tpu.memory_space<vmem>> -> memref<32xf32, #tpu.memory_space<vmem>>
      %dma_start3A_819 = arith.constant 0 : i32
      %dma_start3A_820 = tpu.memref_slice %arg12[%arg1, %dma_start3A_819] : memref<16x32xf32, #tpu.memory_space<vmem_shared>> -> memref<1x32xf32, #tpu.memory_space<vmem_shared>>
      %dma_start3A_821 = tpu.memref_squeeze %dma_start3A_820 : memref<1x32xf32, #tpu.memory_space<vmem_shared>> -> memref<32xf32, #tpu.memory_space<vmem_shared>>
      %dma_start3A_822 = arith.constant 0 : i32
      %dma_start3A_823 = tpu.memref_slice %arg12[%arg1, %dma_start3A_822] : memref<16x32xf32, #tpu.memory_space<vmem_shared>> -> memref<1x32xf32, #tpu.memory_space<vmem_shared>>
      %dma_start3A_824 = tpu.memref_squeeze %dma_start3A_823 : memref<1x32xf32, #tpu.memory_space<vmem_shared>> -> memref<32xf32, #tpu.memory_space<vmem_shared>>
      %dma_start3A_825 = arith.constant 0 : i32
      %dma_start3A_826 = tpu.memref_slice %arg9[%dma_start3A_825] : memref<48xf32, #tpu.memory_space<vmem>> -> memref<32xf32, #tpu.memory_space<vmem>>
      tpu.enqueue_dma source(%dma_start3A_826 : memref<32xf32, #tpu.memory_space<vmem>>) target(%dma_start3A_824 : memref<32xf32, #tpu.memory_space<vmem_shared>>) target_semaphore(%run_scoped3A : memref<!tpu.dma_semaphore, #tpu.memory_space<semaphore_mem>>)
      %dma_wait3A = arith.constant 0 : i32
      %dma_wait3A_827 = tpu.memref_slice %arg9[%dma_wait3A] : memref<48xf32, #tpu.memory_space<vmem>> -> memref<32xf32, #tpu.memory_space<vmem>>
      %dma_wait3A_828 = arith.constant 0 : i32
      %dma_wait3A_829 = tpu.memref_slice %arg12[%arg1, %dma_wait3A_828] : memref<16x32xf32, #tpu.memory_space<vmem_shared>> -> memref<1x32xf32, #tpu.memory_space<vmem_shared>>
      %dma_wait3A_830 = tpu.memref_squeeze %dma_wait3A_829 : memref<1x32xf32, #tpu.memory_space<vmem_shared>> -> memref<32xf32, #tpu.memory_space<vmem_shared>>
      %dma_wait3A_831 = arith.constant 0 : i32
      %dma_wait3A_832 = tpu.memref_slice %arg12[%arg1, %dma_wait3A_831] : memref<16x32xf32, #tpu.memory_space<vmem_shared>> -> memref<1x32xf32, #tpu.memory_space<vmem_shared>>
      %dma_wait3A_833 = tpu.memref_squeeze %dma_wait3A_832 : memref<1x32xf32, #tpu.memory_space<vmem_shared>> -> memref<32xf32, #tpu.memory_space<vmem_shared>>
      %dma_wait3A_834 = arith.constant 0 : i32
      %dma_wait3A_835 = tpu.memref_slice %arg9[%dma_wait3A_834] : memref<48xf32, #tpu.memory_space<vmem>> -> memref<32xf32, #tpu.memory_space<vmem>>
      tpu.wait_dma2 semaphore(%run_scoped3A : memref<!tpu.dma_semaphore, #tpu.memory_space<semaphore_mem>>) src(%dma_wait3A_835 : memref<32xf32, #tpu.memory_space<vmem>>) dst(%dma_wait3A_833 : memref<32xf32, #tpu.memory_space<vmem_shared>>)
      tpu.yield
    }) : () -> ()
    %barrier3A = arith.constant 0 : index
    tpu.barrier barrier_id(%barrier3A)
    "tpu.region"() ({
      %run_scoped3A = tpu.sem_alloc : memref<!tpu.dma_semaphore, #tpu.memory_space<semaphore_mem>>
      tpu.enqueue_dma source(%arg12 : memref<16x32xf32, #tpu.memory_space<vmem_shared>>) target(%arg10 : memref<16x32xf32, #tpu.memory_space<vmem>>) target_semaphore(%run_scoped3A : memref<!tpu.dma_semaphore, #tpu.memory_space<semaphore_mem>>)
      tpu.wait_dma2 semaphore(%run_scoped3A : memref<!tpu.dma_semaphore, #tpu.memory_space<semaphore_mem>>) src(%arg12 : memref<16x32xf32, #tpu.memory_space<vmem_shared>>) dst(%arg10 : memref<16x32xf32, #tpu.memory_space<vmem>>)
      tpu.yield
    }) : () -> ()
    %barrier3A_373 = arith.constant 0 : index
    tpu.barrier barrier_id(%barrier3A_373)
    %get3A = arith.constant 0 : i32
    %get3A_374 = arith.index_cast %get3A : i32 to index
    %get3A_375 = arith.constant 0 : index
    %get3A_376 = tpu.vector_load %arg10[%get3A_374, %get3A_375] {strides = array<i32>} : memref<16x32xf32, #tpu.memory_space<vmem>>, vector<16xf32>,
    %add3A_377 = arith.addf %broadcast_in_dim3A_1, %get3A_376 : vector<16xf32>
    %get3A_378 = arith.constant 0 : i32
    %get3A_379 = arith.index_cast %get3A_378 : i32 to index
    %get3A_380 = arith.constant 16 : index
    %get3A_381 = tpu.vector_load %arg10[%get3A_379, %get3A_380] {strides = array<i32>} : memref<16x32xf32, #tpu.memory_space<vmem>>, vector<16xf32>,
    %add3A_382 = arith.addf %broadcast_in_dim3A_1, %get3A_381 : vector<16xf32>
    %get3A_383 = arith.constant 1 : i32
    %get3A_384 = arith.index_cast %get3A_383 : i32 to index
    %get3A_385 = arith.constant 0 : index
    %get3A_386 = tpu.vector_load %arg10[%get3A_384, %get3A_385] {strides = array<i32>} : memref<16x32xf32, #tpu.memory_space<vmem>>, vector<16xf32>,
    %add3A_387 = arith.addf %add3A_377, %get3A_386 : vector<16xf32>
    %get3A_388 = arith.constant 1 : i32
    %get3A_389 = arith.index_cast %get3A_388 : i32 to index
    %get3A_390 = arith.constant 16 : index
    %get3A_391 = tpu.vector_load %arg10[%get3A_389, %get3A_390] {strides = array<i32>} : memref<16x32xf32, #tpu.memory_space<vmem>>, vector<16xf32>,
    %add3A_392 = arith.addf %add3A_382, %get3A_391 : vector<16xf32>
    %get3A_393 = arith.constant 2 : i32
    %get3A_394 = arith.index_cast %get3A_393 : i32 to index
    %get3A_395 = arith.constant 0 : index
    %get3A_396 = tpu.vector_load %arg10[%get3A_394, %get3A_395] {strides = array<i32>} : memref<16x32xf32, #tpu.memory_space<vmem>>, vector<16xf32>,
    %add3A_397 = arith.addf %add3A_387, %get3A_396 : vector<16xf32>
    %get3A_398 = arith.constant 2 : i32
    %get3A_399 = arith.index_cast %get3A_398 : i32 to index
    %get3A_400 = arith.constant 16 : index
    %get3A_401 = tpu.vector_load %arg10[%get3A_399, %get3A_400] {strides = array<i32>} : memref<16x32xf32, #tpu.memory_space<vmem>>, vector<16xf32>,
    %add3A_402 = arith.addf %add3A_392, %get3A_401 : vector<16xf32>
    %get3A_403 = arith.constant 3 : i32
    %get3A_404 = arith.index_cast %get3A_403 : i32 to index
    %get3A_405 = arith.constant 0 : index
    %get3A_406 = tpu.vector_load %arg10[%get3A_404, %get3A_405] {strides = array<i32>} : memref<16x32xf32, #tpu.memory_space<vmem>>, vector<16xf32>,
    %add3A_407 = arith.addf %add3A_397, %get3A_406 : vector<16xf32>
    %get3A_408 = arith.constant 3 : i32
    %get3A_409 = arith.index_cast %get3A_408 : i32 to index
    %get3A_410 = arith.constant 16 : index
    %get3A_411 = tpu.vector_load %arg10[%get3A_409, %get3A_410] {strides = array<i32>} : memref<16x32xf32, #tpu.memory_space<vmem>>, vector<16xf32>,
    %add3A_412 = arith.addf %add3A_402, %get3A_411 : vector<16xf32>
    %get3A_413 = arith.constant 4 : i32
    %get3A_414 = arith.index_cast %get3A_413 : i32 to index
    %get3A_415 = arith.constant 0 : index
    %get3A_416 = tpu.vector_load %arg10[%get3A_414, %get3A_415] {strides = array<i32>} : memref<16x32xf32, #tpu.memory_space<vmem>>, vector<16xf32>,
    %add3A_417 = arith.addf %add3A_407, %get3A_416 : vector<16xf32>
    %get3A_418 = arith.constant 4 : i32
    %get3A_419 = arith.index_cast %get3A_418 : i32 to index
    %get3A_420 = arith.constant 16 : index
    %get3A_421 = tpu.vector_load %arg10[%get3A_419, %get3A_420] {strides = array<i32>} : memref<16x32xf32, #tpu.memory_space<vmem>>, vector<16xf32>,
    %add3A_422 = arith.addf %add3A_412, %get3A_421 : vector<16xf32>
    %get3A_423 = arith.constant 5 : i32
    %get3A_424 = arith.index_cast %get3A_423 : i32 to index
    %get3A_425 = arith.constant 0 : index
    %get3A_426 = tpu.vector_load %arg10[%get3A_424, %get3A_425] {strides = array<i32>} : memref<16x32xf32, #tpu.memory_space<vmem>>, vector<16xf32>,
    %add3A_427 = arith.addf %add3A_417, %get3A_426 : vector<16xf32>
    %get3A_428 = arith.constant 5 : i32
    %get3A_429 = arith.index_cast %get3A_428 : i32 to index
    %get3A_430 = arith.constant 16 : index
    %get3A_431 = tpu.vector_load %arg10[%get3A_429, %get3A_430] {strides = array<i32>} : memref<16x32xf32, #tpu.memory_space<vmem>>, vector<16xf32>,
    %add3A_432 = arith.addf %add3A_422, %get3A_431 : vector<16xf32>
    %get3A_433 = arith.constant 6 : i32
    %get3A_434 = arith.index_cast %get3A_433 : i32 to index
    %get3A_435 = arith.constant 0 : index
    %get3A_436 = tpu.vector_load %arg10[%get3A_434, %get3A_435] {strides = array<i32>} : memref<16x32xf32, #tpu.memory_space<vmem>>, vector<16xf32>,
    %add3A_437 = arith.addf %add3A_427, %get3A_436 : vector<16xf32>
    %get3A_438 = arith.constant 6 : i32
    %get3A_439 = arith.index_cast %get3A_438 : i32 to index
    %get3A_440 = arith.constant 16 : index
    %get3A_441 = tpu.vector_load %arg10[%get3A_439, %get3A_440] {strides = array<i32>} : memref<16x32xf32, #tpu.memory_space<vmem>>, vector<16xf32>,
    %add3A_442 = arith.addf %add3A_432, %get3A_441 : vector<16xf32>
    %get3A_443 = arith.constant 7 : i32
    %get3A_444 = arith.index_cast %get3A_443 : i32 to index
    %get3A_445 = arith.constant 0 : index
    %get3A_446 = tpu.vector_load %arg10[%get3A_444, %get3A_445] {strides = array<i32>} : memref<16x32xf32, #tpu.memory_space<vmem>>, vector<16xf32>,
    %add3A_447 = arith.addf %add3A_437, %get3A_446 : vector<16xf32>
    %get3A_448 = arith.constant 7 : i32
    %get3A_449 = arith.index_cast %get3A_448 : i32 to index
    %get3A_450 = arith.constant 16 : index
    %get3A_451 = tpu.vector_load %arg10[%get3A_449, %get3A_450] {strides = array<i32>} : memref<16x32xf32, #tpu.memory_space<vmem>>, vector<16xf32>,
    %add3A_452 = arith.addf %add3A_442, %get3A_451 : vector<16xf32>
    %get3A_453 = arith.constant 8 : i32
    %get3A_454 = arith.index_cast %get3A_453 : i32 to index
    %get3A_455 = arith.constant 0 : index
    %get3A_456 = tpu.vector_load %arg10[%get3A_454, %get3A_455] {strides = array<i32>} : memref<16x32xf32, #tpu.memory_space<vmem>>, vector<16xf32>,
    %add3A_457 = arith.addf %add3A_447, %get3A_456 : vector<16xf32>
    %get3A_458 = arith.constant 8 : i32
    %get3A_459 = arith.index_cast %get3A_458 : i32 to index
    %get3A_460 = arith.constant 16 : index
    %get3A_461 = tpu.vector_load %arg10[%get3A_459, %get3A_460] {strides = array<i32>} : memref<16x32xf32, #tpu.memory_space<vmem>>, vector<16xf32>,
    %add3A_462 = arith.addf %add3A_452, %get3A_461 : vector<16xf32>
    %get3A_463 = arith.constant 9 : i32
    %get3A_464 = arith.index_cast %get3A_463 : i32 to index
    %get3A_465 = arith.constant 0 : index
    %get3A_466 = tpu.vector_load %arg10[%get3A_464, %get3A_465] {strides = array<i32>} : memref<16x32xf32, #tpu.memory_space<vmem>>, vector<16xf32>,
    %add3A_467 = arith.addf %add3A_457, %get3A_466 : vector<16xf32>
    %get3A_468 = arith.constant 9 : i32
    %get3A_469 = arith.index_cast %get3A_468 : i32 to index
    %get3A_470 = arith.constant 16 : index
    %get3A_471 = tpu.vector_load %arg10[%get3A_469, %get3A_470] {strides = array<i32>} : memref<16x32xf32, #tpu.memory_space<vmem>>, vector<16xf32>,
    %add3A_472 = arith.addf %add3A_462, %get3A_471 : vector<16xf32>
    %get3A_473 = arith.constant 10 : i32
    %get3A_474 = arith.index_cast %get3A_473 : i32 to index
    %get3A_475 = arith.constant 0 : index
    %get3A_476 = tpu.vector_load %arg10[%get3A_474, %get3A_475] {strides = array<i32>} : memref<16x32xf32, #tpu.memory_space<vmem>>, vector<16xf32>,
    %add3A_477 = arith.addf %add3A_467, %get3A_476 : vector<16xf32>
    %get3A_478 = arith.constant 10 : i32
    %get3A_479 = arith.index_cast %get3A_478 : i32 to index
    %get3A_480 = arith.constant 16 : index
    %get3A_481 = tpu.vector_load %arg10[%get3A_479, %get3A_480] {strides = array<i32>} : memref<16x32xf32, #tpu.memory_space<vmem>>, vector<16xf32>,
    %add3A_482 = arith.addf %add3A_472, %get3A_481 : vector<16xf32>
    %get3A_483 = arith.constant 11 : i32
    %get3A_484 = arith.index_cast %get3A_483 : i32 to index
    %get3A_485 = arith.constant 0 : index
    %get3A_486 = tpu.vector_load %arg10[%get3A_484, %get3A_485] {strides = array<i32>} : memref<16x32xf32, #tpu.memory_space<vmem>>, vector<16xf32>,
    %add3A_487 = arith.addf %add3A_477, %get3A_486 : vector<16xf32>
    %get3A_488 = arith.constant 11 : i32
    %get3A_489 = arith.index_cast %get3A_488 : i32 to index
    %get3A_490 = arith.constant 16 : index
    %get3A_491 = tpu.vector_load %arg10[%get3A_489, %get3A_490] {strides = array<i32>} : memref<16x32xf32, #tpu.memory_space<vmem>>, vector<16xf32>,
    %add3A_492 = arith.addf %add3A_482, %get3A_491 : vector<16xf32>
    %get3A_493 = arith.constant 12 : i32
    %get3A_494 = arith.index_cast %get3A_493 : i32 to index
    %get3A_495 = arith.constant 0 : index
    %get3A_496 = tpu.vector_load %arg10[%get3A_494, %get3A_495] {strides = array<i32>} : memref<16x32xf32, #tpu.memory_space<vmem>>, vector<16xf32>,
    %add3A_497 = arith.addf %add3A_487, %get3A_496 : vector<16xf32>
    %get3A_498 = arith.constant 12 : i32
    %get3A_499 = arith.index_cast %get3A_498 : i32 to index
    %get3A_500 = arith.constant 16 : index
    %get3A_501 = tpu.vector_load %arg10[%get3A_499, %get3A_500] {strides = array<i32>} : memref<16x32xf32, #tpu.memory_space<vmem>>, vector<16xf32>,
    %add3A_502 = arith.addf %add3A_492, %get3A_501 : vector<16xf32>
    %get3A_503 = arith.constant 13 : i32
    %get3A_504 = arith.index_cast %get3A_503 : i32 to index
    %get3A_505 = arith.constant 0 : index
    %get3A_506 = tpu.vector_load %arg10[%get3A_504, %get3A_505] {strides = array<i32>} : memref<16x32xf32, #tpu.memory_space<vmem>>, vector<16xf32>,
    %add3A_507 = arith.addf %add3A_497, %get3A_506 : vector<16xf32>
    %get3A_508 = arith.constant 13 : i32
    %get3A_509 = arith.index_cast %get3A_508 : i32 to index
    %get3A_510 = arith.constant 16 : index
    %get3A_511 = tpu.vector_load %arg10[%get3A_509, %get3A_510] {strides = array<i32>} : memref<16x32xf32, #tpu.memory_space<vmem>>, vector<16xf32>,
    %add3A_512 = arith.addf %add3A_502, %get3A_511 : vector<16xf32>
    %get3A_513 = arith.constant 14 : i32
    %get3A_514 = arith.index_cast %get3A_513 : i32 to index
    %get3A_515 = arith.constant 0 : index
    %get3A_516 = tpu.vector_load %arg10[%get3A_514, %get3A_515] {strides = array<i32>} : memref<16x32xf32, #tpu.memory_space<vmem>>, vector<16xf32>,
    %add3A_517 = arith.addf %add3A_507, %get3A_516 : vector<16xf32>
    %get3A_518 = arith.constant 14 : i32
    %get3A_519 = arith.index_cast %get3A_518 : i32 to index
    %get3A_520 = arith.constant 16 : index
    %get3A_521 = tpu.vector_load %arg10[%get3A_519, %get3A_520] {strides = array<i32>} : memref<16x32xf32, #tpu.memory_space<vmem>>, vector<16xf32>,
    %add3A_522 = arith.addf %add3A_512, %get3A_521 : vector<16xf32>
    %get3A_523 = arith.constant 15 : i32
    %get3A_524 = arith.index_cast %get3A_523 : i32 to index
    %get3A_525 = arith.constant 0 : index
    %get3A_526 = tpu.vector_load %arg10[%get3A_524, %get3A_525] {strides = array<i32>} : memref<16x32xf32, #tpu.memory_space<vmem>>, vector<16xf32>,
    %add3A_527 = arith.addf %add3A_517, %get3A_526 : vector<16xf32>
    %get3A_528 = arith.constant 15 : i32
    %get3A_529 = arith.index_cast %get3A_528 : i32 to index
    %get3A_530 = arith.constant 16 : index
    %get3A_531 = tpu.vector_load %arg10[%get3A_529, %get3A_530] {strides = array<i32>} : memref<16x32xf32, #tpu.memory_space<vmem>>, vector<16xf32>,
    %add3A_532 = arith.addf %add3A_522, %get3A_531 : vector<16xf32>
    %broadcast_in_dim3A_533 = arith.constant 1.000000e+00 : f32
    %broadcast_in_dim3A_534 = vector.broadcast %broadcast_in_dim3A_533 : f32 to vector<16xf32>
    %iota3A_535 = tpu.iota {dimensions = array<i32: 0>} : vector<16xi32>
    %eq3A_536 = arith.constant 12 : i32
    %eq3A_537 = vector.broadcast %eq3A_536 : i32 to vector<16xi32>
    %eq3A_538 = arith.cmpi eq, %iota3A_535, %eq3A_537 : vector<16xi32>
    %jit3A_539 = arith.constant 0.000000e+00 : f32
    %broadcast_in_dim3A_540 = vector.broadcast %jit3A_539 : f32 to vector<16xf32>
    %select_n3A_541 = arith.select %eq3A_538, %add3A_527, %broadcast_in_dim3A_540 : vector<16xi1>, vector<16xf32>
    %reduce_sum3A_542 = arith.constant true
    %reduce_sum3A_543 = vector.broadcast %reduce_sum3A_542 : i1 to vector<16xi1>
    %reduce_sum3A_544 = tpu.scan <sum>, %select_n3A_541 masked %reduce_sum3A_543 : vector<16xf32>, vector<16xi1> -> vector<16xf32>
    %reduce_sum3A_545 = vector.extract %reduce_sum3A_544[15] : f32 from vector<16xf32>
    %add3A_546 = arith.constant 1.000000e-10 : f32
    %add3A_547 = arith.addf %reduce_sum3A_545, %add3A_546 : f32
    %ge3A = arith.constant 0 : i32
    %ge3A_548 = vector.broadcast %ge3A : i32 to vector<16xi32>
    %ge3A_549 = arith.cmpi sge, %iota3A, %ge3A_548 : vector<16xi32>
    %lt3A = arith.constant 3 : i32
    %lt3A_550 = vector.broadcast %lt3A : i32 to vector<16xi32>
    %lt3A_551 = arith.cmpi slt, %iota3A, %lt3A_550 : vector<16xi32>
    %and3A = arith.andi %ge3A_549, %lt3A_551 : vector<16xi1>
    %broadcast_in_dim3A_552 = vector.broadcast %add3A_547 : f32 to vector<16xf32>
    %select_n3A_553 = arith.select %and3A, %broadcast_in_dim3A_552, %broadcast_in_dim3A_534 : vector<16xi1>, vector<16xf32>
    %iota3A_554 = tpu.iota {dimensions = array<i32: 0>} : vector<16xi32>
    %eq3A_555 = arith.constant 13 : i32
    %eq3A_556 = vector.broadcast %eq3A_555 : i32 to vector<16xi32>
    %eq3A_557 = arith.cmpi eq, %iota3A_554, %eq3A_556 : vector<16xi32>
    %jit3A_558 = arith.constant 0.000000e+00 : f32
    %broadcast_in_dim3A_559 = vector.broadcast %jit3A_558 : f32 to vector<16xf32>
    %select_n3A_560 = arith.select %eq3A_557, %add3A_527, %broadcast_in_dim3A_559 : vector<16xi1>, vector<16xf32>
    %reduce_sum3A_561 = arith.constant true
    %reduce_sum3A_562 = vector.broadcast %reduce_sum3A_561 : i1 to vector<16xi1>
    %reduce_sum3A_563 = tpu.scan <sum>, %select_n3A_560 masked %reduce_sum3A_562 : vector<16xf32>, vector<16xi1> -> vector<16xf32>
    %reduce_sum3A_564 = vector.extract %reduce_sum3A_563[15] : f32 from vector<16xf32>
    %add3A_565 = arith.constant 1.000000e-10 : f32
    %add3A_566 = arith.addf %reduce_sum3A_564, %add3A_565 : f32
    %ge3A_567 = arith.constant 3 : i32
    %ge3A_568 = vector.broadcast %ge3A_567 : i32 to vector<16xi32>
    %ge3A_569 = arith.cmpi sge, %iota3A, %ge3A_568 : vector<16xi32>
    %lt3A_570 = arith.constant 6 : i32
    %lt3A_571 = vector.broadcast %lt3A_570 : i32 to vector<16xi32>
    %lt3A_572 = arith.cmpi slt, %iota3A, %lt3A_571 : vector<16xi32>
    %and3A_573 = arith.andi %ge3A_569, %lt3A_572 : vector<16xi1>
    %broadcast_in_dim3A_574 = vector.broadcast %add3A_566 : f32 to vector<16xf32>
    %select_n3A_575 = arith.select %and3A_573, %broadcast_in_dim3A_574, %select_n3A_553 : vector<16xi1>, vector<16xf32>
    %iota3A_576 = tpu.iota {dimensions = array<i32: 0>} : vector<16xi32>
    %eq3A_577 = arith.constant 14 : i32
    %eq3A_578 = vector.broadcast %eq3A_577 : i32 to vector<16xi32>
    %eq3A_579 = arith.cmpi eq, %iota3A_576, %eq3A_578 : vector<16xi32>
    %jit3A_580 = arith.constant 0.000000e+00 : f32
    %broadcast_in_dim3A_581 = vector.broadcast %jit3A_580 : f32 to vector<16xf32>
    %select_n3A_582 = arith.select %eq3A_579, %add3A_527, %broadcast_in_dim3A_581 : vector<16xi1>, vector<16xf32>
    %reduce_sum3A_583 = arith.constant true
    %reduce_sum3A_584 = vector.broadcast %reduce_sum3A_583 : i1 to vector<16xi1>
    %reduce_sum3A_585 = tpu.scan <sum>, %select_n3A_582 masked %reduce_sum3A_584 : vector<16xf32>, vector<16xi1> -> vector<16xf32>
    %reduce_sum3A_586 = vector.extract %reduce_sum3A_585[15] : f32 from vector<16xf32>
    %add3A_587 = arith.constant 1.000000e-10 : f32
    %add3A_588 = arith.addf %reduce_sum3A_586, %add3A_587 : f32
    %ge3A_589 = arith.constant 6 : i32
    %ge3A_590 = vector.broadcast %ge3A_589 : i32 to vector<16xi32>
    %ge3A_591 = arith.cmpi sge, %iota3A, %ge3A_590 : vector<16xi32>
    %lt3A_592 = arith.constant 9 : i32
    %lt3A_593 = vector.broadcast %lt3A_592 : i32 to vector<16xi32>
    %lt3A_594 = arith.cmpi slt, %iota3A, %lt3A_593 : vector<16xi32>
    %and3A_595 = arith.andi %ge3A_591, %lt3A_594 : vector<16xi1>
    %broadcast_in_dim3A_596 = vector.broadcast %add3A_588 : f32 to vector<16xf32>
    %select_n3A_597 = arith.select %and3A_595, %broadcast_in_dim3A_596, %select_n3A_575 : vector<16xi1>, vector<16xf32>
    %iota3A_598 = tpu.iota {dimensions = array<i32: 0>} : vector<16xi32>
    %eq3A_599 = arith.constant 15 : i32
    %eq3A_600 = vector.broadcast %eq3A_599 : i32 to vector<16xi32>
    %eq3A_601 = arith.cmpi eq, %iota3A_598, %eq3A_600 : vector<16xi32>
    %jit3A_602 = arith.constant 0.000000e+00 : f32
    %broadcast_in_dim3A_603 = vector.broadcast %jit3A_602 : f32 to vector<16xf32>
    %select_n3A_604 = arith.select %eq3A_601, %add3A_527, %broadcast_in_dim3A_603 : vector<16xi1>, vector<16xf32>
    %reduce_sum3A_605 = arith.constant true
    %reduce_sum3A_606 = vector.broadcast %reduce_sum3A_605 : i1 to vector<16xi1>
    %reduce_sum3A_607 = tpu.scan <sum>, %select_n3A_604 masked %reduce_sum3A_606 : vector<16xf32>, vector<16xi1> -> vector<16xf32>
    %reduce_sum3A_608 = vector.extract %reduce_sum3A_607[15] : f32 from vector<16xf32>
    %add3A_609 = arith.constant 1.000000e-10 : f32
    %add3A_610 = arith.addf %reduce_sum3A_608, %add3A_609 : f32
    %ge3A_611 = arith.constant 9 : i32
    %ge3A_612 = vector.broadcast %ge3A_611 : i32 to vector<16xi32>
    %ge3A_613 = arith.cmpi sge, %iota3A, %ge3A_612 : vector<16xi32>
    %lt3A_614 = arith.constant 12 : i32
    %lt3A_615 = vector.broadcast %lt3A_614 : i32 to vector<16xi32>
    %lt3A_616 = arith.cmpi slt, %iota3A, %lt3A_615 : vector<16xi32>
    %and3A_617 = arith.andi %ge3A_613, %lt3A_616 : vector<16xi1>
    %broadcast_in_dim3A_618 = vector.broadcast %add3A_610 : f32 to vector<16xf32>
    %select_n3A_619 = arith.select %and3A_617, %broadcast_in_dim3A_618, %select_n3A_597 : vector<16xi1>, vector<16xf32>
    %div3A = arith.divf %add3A_527, %select_n3A_619 : vector<16xf32>
    %div3A_620 = arith.divf %add3A_532, %select_n3A_619 : vector<16xf32>
    %mul3A_621 = arith.mulf %div3A, %div3A : vector<16xf32>
    %sub3A = arith.subf %div3A_620, %mul3A_621 : vector<16xf32>
    %add3A_622 = arith.constant 1.000000e-10 : f32
    %add3A_623 = vector.broadcast %add3A_622 : f32 to vector<16xf32>
    %add3A_624 = arith.addf %sub3A, %add3A_623 : vector<16xf32>
    %lt3A_625 = arith.constant 12 : i32
    %lt3A_626 = vector.broadcast %lt3A_625 : i32 to vector<16xi32>
    %lt3A_627 = arith.cmpi slt, %iota3A, %lt3A_626 : vector<16xi32>
    %jit3A_628 = arith.constant 1.000000e+00 : f32
    %broadcast_in_dim3A_629 = vector.broadcast %jit3A_628 : f32 to vector<16xf32>
    %select_n3A_630 = arith.select %lt3A_627, %add3A_624, %broadcast_in_dim3A_629 : vector<16xi1>, vector<16xf32>
    %div3A_631 = arith.constant 5.000000e-01 : f32
    %div3A_632 = vector.broadcast %div3A_631 : f32 to vector<16xf32>
    %div3A_633 = arith.divf %div3A_632, %select_n3A_630 : vector<16xf32>
    %bitcast_convert_type3A = tpu.bitcast %select_n3A_630 : vector<16xf32> -> vector<16xi32>
    %shift_right_arithmetic3A = arith.constant 23 : i32
    %shift_right_arithmetic3A_634 = vector.broadcast %shift_right_arithmetic3A : i32 to vector<16xi32>
    %shift_right_arithmetic3A_635 = arith.shrsi %bitcast_convert_type3A, %shift_right_arithmetic3A_634 : vector<16xi32>
    %and3A_636 = arith.constant 255 : i32
    %and3A_637 = vector.broadcast %and3A_636 : i32 to vector<16xi32>
    %and3A_638 = arith.andi %shift_right_arithmetic3A_635, %and3A_637 : vector<16xi32>
    %sub3A_639 = arith.constant 127 : i32
    %sub3A_640 = vector.broadcast %sub3A_639 : i32 to vector<16xi32>
    %sub3A_641 = arith.subi %and3A_638, %sub3A_640 : vector<16xi32>
    %and3A_642 = arith.constant 8388607 : i32
    %and3A_643 = vector.broadcast %and3A_642 : i32 to vector<16xi32>
    %and3A_644 = arith.andi %bitcast_convert_type3A, %and3A_643 : vector<16xi32>
    %or3A = arith.constant 1065353216 : i32
    %or3A_645 = vector.broadcast %or3A : i32 to vector<16xi32>
    %or3A_646 = arith.ori %and3A_644, %or3A_645 : vector<16xi32>
    %bitcast_convert_type3A_647 = tpu.bitcast %or3A_646 : vector<16xi32> -> vector<16xf32>
    %ge3A_648 = arith.constant 1.41421354 : f32
    %ge3A_649 = vector.broadcast %ge3A_648 : f32 to vector<16xf32>
    %ge3A_650 = arith.cmpf oge, %bitcast_convert_type3A_647, %ge3A_649 : vector<16xf32>
    %mul3A_651 = arith.constant 5.000000e-01 : f32
    %mul3A_652 = vector.broadcast %mul3A_651 : f32 to vector<16xf32>
    %mul3A_653 = arith.mulf %bitcast_convert_type3A_647, %mul3A_652 : vector<16xf32>
    %select_n3A_654 = arith.select %ge3A_650, %mul3A_653, %bitcast_convert_type3A_647 : vector<16xi1>, vector<16xf32>
    %jit3A_655 = arith.constant 1 : i32
    %jit3A_656 = arith.constant 0 : i32
    %broadcast_in_dim3A_657 = vector.broadcast %jit3A_655 : i32 to vector<16xi32>
    %broadcast_in_dim3A_658 = vector.broadcast %jit3A_656 : i32 to vector<16xi32>
    %select_n3A_659 = arith.select %ge3A_650, %broadcast_in_dim3A_657, %broadcast_in_dim3A_658 : vector<16xi1>, vector<16xi32>
    %add3A_660 = arith.addi %sub3A_641, %select_n3A_659 : vector<16xi32>
    %sub3A_661 = arith.constant 1.000000e+00 : f32
    %sub3A_662 = vector.broadcast %sub3A_661 : f32 to vector<16xf32>
    %sub3A_663 = arith.subf %select_n3A_654, %sub3A_662 : vector<16xf32>
    %add3A_664 = arith.constant 1.000000e+00 : f32
    %add3A_665 = vector.broadcast %add3A_664 : f32 to vector<16xf32>
    %add3A_666 = arith.addf %select_n3A_654, %add3A_665 : vector<16xf32>
    %div3A_667 = arith.divf %sub3A_663, %add3A_666 : vector<16xf32>
    %mul3A_668 = arith.mulf %div3A_667, %div3A_667 : vector<16xf32>
    %mul3A_669 = arith.constant 0.111111112 : f32
    %mul3A_670 = vector.broadcast %mul3A_669 : f32 to vector<16xf32>
    %mul3A_671 = arith.mulf %mul3A_668, %mul3A_670 : vector<16xf32>
    %add3A_672 = arith.constant 0.142857149 : f32
    %add3A_673 = vector.broadcast %add3A_672 : f32 to vector<16xf32>
    %add3A_674 = arith.addf %mul3A_671, %add3A_673 : vector<16xf32>
    %mul3A_675 = arith.mulf %add3A_674, %mul3A_668 : vector<16xf32>
    %add3A_676 = arith.constant 2.000000e-01 : f32
    %add3A_677 = vector.broadcast %add3A_676 : f32 to vector<16xf32>
    %add3A_678 = arith.addf %mul3A_675, %add3A_677 : vector<16xf32>
    %mul3A_679 = arith.mulf %add3A_678, %mul3A_668 : vector<16xf32>
    %add3A_680 = arith.constant 0.333333343 : f32
    %add3A_681 = vector.broadcast %add3A_680 : f32 to vector<16xf32>
    %add3A_682 = arith.addf %mul3A_679, %add3A_681 : vector<16xf32>
    %mul3A_683 = arith.mulf %add3A_682, %mul3A_668 : vector<16xf32>
    %add3A_684 = arith.constant 1.000000e+00 : f32
    %add3A_685 = vector.broadcast %add3A_684 : f32 to vector<16xf32>
    %add3A_686 = arith.addf %mul3A_683, %add3A_685 : vector<16xf32>
    %convert_element_type3A = arith.sitofp %add3A_660 : vector<16xi32> to vector<16xf32>
    %mul3A_687 = arith.constant 0.693147182 : f32
    %mul3A_688 = vector.broadcast %mul3A_687 : f32 to vector<16xf32>
    %mul3A_689 = arith.mulf %convert_element_type3A, %mul3A_688 : vector<16xf32>
    %mul3A_690 = arith.constant 2.000000e+00 : f32
    %mul3A_691 = vector.broadcast %mul3A_690 : f32 to vector<16xf32>
    %mul3A_692 = arith.mulf %mul3A_691, %div3A_667 : vector<16xf32>
    %mul3A_693 = arith.mulf %mul3A_692, %add3A_686 : vector<16xf32>
    %add3A_694 = arith.addf %mul3A_689, %mul3A_693 : vector<16xf32>
    %add3A_695 = arith.constant 1.83787704 : f32
    %add3A_696 = vector.broadcast %add3A_695 : f32 to vector<16xf32>
    %add3A_697 = arith.addf %add3A_694, %add3A_696 : vector<16xf32>
    %slice3A = vector.extract_strided_slice %div3A {offsets = [0], sizes = [1], strides = [1]} : vector<16xf32> to vector<1xf32>
    %squeeze3A = vector.extract %slice3A[0] : f32 from vector<1xf32>
    %slice3A_698 = vector.extract_strided_slice %div3A {offsets = [1], sizes = [1], strides = [1]} : vector<16xf32> to vector<1xf32>
    %squeeze3A_699 = vector.extract %slice3A_698[0] : f32 from vector<1xf32>
    %slice3A_700 = vector.extract_strided_slice %div3A {offsets = [2], sizes = [1], strides = [1]} : vector<16xf32> to vector<1xf32>
    %squeeze3A_701 = vector.extract %slice3A_700[0] : f32 from vector<1xf32>
    %slice3A_702 = vector.extract_strided_slice %div3A {offsets = [3], sizes = [1], strides = [1]} : vector<16xf32> to vector<1xf32>
    %squeeze3A_703 = vector.extract %slice3A_702[0] : f32 from vector<1xf32>
    %slice3A_704 = vector.extract_strided_slice %div3A {offsets = [4], sizes = [1], strides = [1]} : vector<16xf32> to vector<1xf32>
    %squeeze3A_705 = vector.extract %slice3A_704[0] : f32 from vector<1xf32>
    %slice3A_706 = vector.extract_strided_slice %div3A {offsets = [5], sizes = [1], strides = [1]} : vector<16xf32> to vector<1xf32>
    %squeeze3A_707 = vector.extract %slice3A_706[0] : f32 from vector<1xf32>
    %slice3A_708 = vector.extract_strided_slice %div3A {offsets = [6], sizes = [1], strides = [1]} : vector<16xf32> to vector<1xf32>
    %squeeze3A_709 = vector.extract %slice3A_708[0] : f32 from vector<1xf32>
    %slice3A_710 = vector.extract_strided_slice %div3A {offsets = [7], sizes = [1], strides = [1]} : vector<16xf32> to vector<1xf32>
    %squeeze3A_711 = vector.extract %slice3A_710[0] : f32 from vector<1xf32>
    %slice3A_712 = vector.extract_strided_slice %div3A {offsets = [8], sizes = [1], strides = [1]} : vector<16xf32> to vector<1xf32>
    %squeeze3A_713 = vector.extract %slice3A_712[0] : f32 from vector<1xf32>
    %slice3A_714 = vector.extract_strided_slice %div3A {offsets = [9], sizes = [1], strides = [1]} : vector<16xf32> to vector<1xf32>
    %squeeze3A_715 = vector.extract %slice3A_714[0] : f32 from vector<1xf32>
    %slice3A_716 = vector.extract_strided_slice %div3A {offsets = [10], sizes = [1], strides = [1]} : vector<16xf32> to vector<1xf32>
    %squeeze3A_717 = vector.extract %slice3A_716[0] : f32 from vector<1xf32>
    %slice3A_718 = vector.extract_strided_slice %div3A {offsets = [11], sizes = [1], strides = [1]} : vector<16xf32> to vector<1xf32>
    %squeeze3A_719 = vector.extract %slice3A_718[0] : f32 from vector<1xf32>
    %slice3A_720 = vector.extract_strided_slice %div3A_633 {offsets = [0], sizes = [1], strides = [1]} : vector<16xf32> to vector<1xf32>
    %squeeze3A_721 = vector.extract %slice3A_720[0] : f32 from vector<1xf32>
    %slice3A_722 = vector.extract_strided_slice %div3A_633 {offsets = [1], sizes = [1], strides = [1]} : vector<16xf32> to vector<1xf32>
    %squeeze3A_723 = vector.extract %slice3A_722[0] : f32 from vector<1xf32>
    %slice3A_724 = vector.extract_strided_slice %div3A_633 {offsets = [2], sizes = [1], strides = [1]} : vector<16xf32> to vector<1xf32>
    %squeeze3A_725 = vector.extract %slice3A_724[0] : f32 from vector<1xf32>
    %slice3A_726 = vector.extract_strided_slice %div3A_633 {offsets = [3], sizes = [1], strides = [1]} : vector<16xf32> to vector<1xf32>
    %squeeze3A_727 = vector.extract %slice3A_726[0] : f32 from vector<1xf32>
    %slice3A_728 = vector.extract_strided_slice %div3A_633 {offsets = [4], sizes = [1], strides = [1]} : vector<16xf32> to vector<1xf32>
    %squeeze3A_729 = vector.extract %slice3A_728[0] : f32 from vector<1xf32>
    %slice3A_730 = vector.extract_strided_slice %div3A_633 {offsets = [5], sizes = [1], strides = [1]} : vector<16xf32> to vector<1xf32>
    %squeeze3A_731 = vector.extract %slice3A_730[0] : f32 from vector<1xf32>
    %slice3A_732 = vector.extract_strided_slice %div3A_633 {offsets = [6], sizes = [1], strides = [1]} : vector<16xf32> to vector<1xf32>
    %squeeze3A_733 = vector.extract %slice3A_732[0] : f32 from vector<1xf32>
    %slice3A_734 = vector.extract_strided_slice %div3A_633 {offsets = [7], sizes = [1], strides = [1]} : vector<16xf32> to vector<1xf32>
    %squeeze3A_735 = vector.extract %slice3A_734[0] : f32 from vector<1xf32>
    %slice3A_736 = vector.extract_strided_slice %div3A_633 {offsets = [8], sizes = [1], strides = [1]} : vector<16xf32> to vector<1xf32>
    %squeeze3A_737 = vector.extract %slice3A_736[0] : f32 from vector<1xf32>
    %slice3A_738 = vector.extract_strided_slice %div3A_633 {offsets = [9], sizes = [1], strides = [1]} : vector<16xf32> to vector<1xf32>
    %squeeze3A_739 = vector.extract %slice3A_738[0] : f32 from vector<1xf32>
    %slice3A_740 = vector.extract_strided_slice %div3A_633 {offsets = [10], sizes = [1], strides = [1]} : vector<16xf32> to vector<1xf32>
    %squeeze3A_741 = vector.extract %slice3A_740[0] : f32 from vector<1xf32>
    %slice3A_742 = vector.extract_strided_slice %div3A_633 {offsets = [11], sizes = [1], strides = [1]} : vector<16xf32> to vector<1xf32>
    %squeeze3A_743 = vector.extract %slice3A_742[0] : f32 from vector<1xf32>
    %slice3A_744 = vector.extract_strided_slice %add3A_697 {offsets = [0], sizes = [1], strides = [1]} : vector<16xf32> to vector<1xf32>
    %squeeze3A_745 = vector.extract %slice3A_744[0] : f32 from vector<1xf32>
    %slice3A_746 = vector.extract_strided_slice %add3A_697 {offsets = [1], sizes = [1], strides = [1]} : vector<16xf32> to vector<1xf32>
    %squeeze3A_747 = vector.extract %slice3A_746[0] : f32 from vector<1xf32>
    %add3A_748 = arith.addf %squeeze3A_745, %squeeze3A_747 : f32
    %slice3A_749 = vector.extract_strided_slice %add3A_697 {offsets = [2], sizes = [1], strides = [1]} : vector<16xf32> to vector<1xf32>
    %squeeze3A_750 = vector.extract %slice3A_749[0] : f32 from vector<1xf32>
    %add3A_751 = arith.addf %add3A_748, %squeeze3A_750 : f32
    %mul3A_752 = arith.constant -5.000000e-01 : f32
    %mul3A_753 = arith.mulf %mul3A_752, %add3A_751 : f32
    %slice3A_754 = vector.extract_strided_slice %add3A_697 {offsets = [3], sizes = [1], strides = [1]} : vector<16xf32> to vector<1xf32>
    %squeeze3A_755 = vector.extract %slice3A_754[0] : f32 from vector<1xf32>
    %slice3A_756 = vector.extract_strided_slice %add3A_697 {offsets = [4], sizes = [1], strides = [1]} : vector<16xf32> to vector<1xf32>
    %squeeze3A_757 = vector.extract %slice3A_756[0] : f32 from vector<1xf32>
    %add3A_758 = arith.addf %squeeze3A_755, %squeeze3A_757 : f32
    %slice3A_759 = vector.extract_strided_slice %add3A_697 {offsets = [5], sizes = [1], strides = [1]} : vector<16xf32> to vector<1xf32>
    %squeeze3A_760 = vector.extract %slice3A_759[0] : f32 from vector<1xf32>
    %add3A_761 = arith.addf %add3A_758, %squeeze3A_760 : f32
    %mul3A_762 = arith.constant -5.000000e-01 : f32
    %mul3A_763 = arith.mulf %mul3A_762, %add3A_761 : f32
    %slice3A_764 = vector.extract_strided_slice %add3A_697 {offsets = [6], sizes = [1], strides = [1]} : vector<16xf32> to vector<1xf32>
    %squeeze3A_765 = vector.extract %slice3A_764[0] : f32 from vector<1xf32>
    %slice3A_766 = vector.extract_strided_slice %add3A_697 {offsets = [7], sizes = [1], strides = [1]} : vector<16xf32> to vector<1xf32>
    %squeeze3A_767 = vector.extract %slice3A_766[0] : f32 from vector<1xf32>
    %add3A_768 = arith.addf %squeeze3A_765, %squeeze3A_767 : f32
    %slice3A_769 = vector.extract_strided_slice %add3A_697 {offsets = [8], sizes = [1], strides = [1]} : vector<16xf32> to vector<1xf32>
    %squeeze3A_770 = vector.extract %slice3A_769[0] : f32 from vector<1xf32>
    %add3A_771 = arith.addf %add3A_768, %squeeze3A_770 : f32
    %mul3A_772 = arith.constant -5.000000e-01 : f32
    %mul3A_773 = arith.mulf %mul3A_772, %add3A_771 : f32
    %slice3A_774 = vector.extract_strided_slice %add3A_697 {offsets = [9], sizes = [1], strides = [1]} : vector<16xf32> to vector<1xf32>
    %squeeze3A_775 = vector.extract %slice3A_774[0] : f32 from vector<1xf32>
    %slice3A_776 = vector.extract_strided_slice %add3A_697 {offsets = [10], sizes = [1], strides = [1]} : vector<16xf32> to vector<1xf32>
    %squeeze3A_777 = vector.extract %slice3A_776[0] : f32 from vector<1xf32>
    %add3A_778 = arith.addf %squeeze3A_775, %squeeze3A_777 : f32
    %slice3A_779 = vector.extract_strided_slice %add3A_697 {offsets = [11], sizes = [1], strides = [1]} : vector<16xf32> to vector<1xf32>
    %squeeze3A_780 = vector.extract %slice3A_779[0] : f32 from vector<1xf32>
    %add3A_781 = arith.addf %add3A_778, %squeeze3A_780 : f32
    %mul3A_782 = arith.constant -5.000000e-01 : f32
    %mul3A_783 = arith.mulf %mul3A_782, %add3A_781 : f32
    %scan3A_784 = arith.constant 0 : i32
    %scan3A_785 = arith.constant 256 : i32
    %scan3A_786 = arith.addi %scan3A_784, %scan3A_785 : i32
    %scan3A_787 = arith.constant 1 : i32
    %scan3A_788:2 = scf.for %scan3A_818 = %scan3A_784 to %scan3A_786 step %scan3A_787 iter_args(%scan3A_819 = %broadcast_in_dim3A_1, %scan3A_820 = %broadcast_in_dim3A_1) -> (vector<16xf32>, vector<16xf32>)  : i32 {
      %mul3A_821 = arith.constant 16 : i32
      %mul3A_822 = arith.muli %scan3A_818, %mul3A_821 : i32
      %get3A_823 = arith.index_cast %mul3A_822 : i32 to index
      %get3A_824 = tpu.vector_load %arg8[%get3A_823] {strides = array<i32>} : memref<4096xf32, #tpu.memory_space<vmem>>, vector<16xf32>,
      %get3A_825 = arith.constant 0 : i32
      %get3A_826 = arith.index_cast %get3A_825 : i32 to index
      %get3A_827 = arith.index_cast %mul3A_822 : i32 to index
      %get3A_828 = tpu.vector_load %arg7[%get3A_826, %get3A_827] {strides = array<i32>} : memref<3x4096xf32, #tpu.memory_space<vmem>>, vector<16xf32>,
      %get3A_829 = arith.constant 1 : i32
      %get3A_830 = arith.index_cast %get3A_829 : i32 to index
      %get3A_831 = arith.index_cast %mul3A_822 : i32 to index
      %get3A_832 = tpu.vector_load %arg7[%get3A_830, %get3A_831] {strides = array<i32>} : memref<3x4096xf32, #tpu.memory_space<vmem>>, vector<16xf32>,
      %get3A_833 = arith.constant 2 : i32
      %get3A_834 = arith.index_cast %get3A_833 : i32 to index
      %get3A_835 = arith.index_cast %mul3A_822 : i32 to index
      %get3A_836 = tpu.vector_load %arg7[%get3A_834, %get3A_835] {strides = array<i32>} : memref<3x4096xf32, #tpu.memory_space<vmem>>, vector<16xf32>,
      %sub3A_837 = vector.broadcast %squeeze3A : f32 to vector<16xf32>
      %sub3A_838 = arith.subf %get3A_828, %sub3A_837 : vector<16xf32>
      %sub3A_839 = vector.broadcast %squeeze3A_699 : f32 to vector<16xf32>
      %sub3A_840 = arith.subf %get3A_832, %sub3A_839 : vector<16xf32>
      %sub3A_841 = vector.broadcast %squeeze3A_701 : f32 to vector<16xf32>
      %sub3A_842 = arith.subf %get3A_836, %sub3A_841 : vector<16xf32>
      %mul3A_843 = arith.mulf %sub3A_838, %sub3A_838 : vector<16xf32>
      %mul3A_844 = vector.broadcast %squeeze3A_721 : f32 to vector<16xf32>
      %mul3A_845 = arith.mulf %mul3A_843, %mul3A_844 : vector<16xf32>
      %mul3A_846 = arith.mulf %sub3A_840, %sub3A_840 : vector<16xf32>
      %mul3A_847 = vector.broadcast %squeeze3A_723 : f32 to vector<16xf32>
      %mul3A_848 = arith.mulf %mul3A_846, %mul3A_847 : vector<16xf32>
      %add3A_849 = arith.addf %mul3A_845, %mul3A_848 : vector<16xf32>
      %mul3A_850 = arith.mulf %sub3A_842, %sub3A_842 : vector<16xf32>
      %mul3A_851 = vector.broadcast %squeeze3A_725 : f32 to vector<16xf32>
      %mul3A_852 = arith.mulf %mul3A_850, %mul3A_851 : vector<16xf32>
      %add3A_853 = arith.addf %add3A_849, %mul3A_852 : vector<16xf32>
      %sub3A_854 = vector.broadcast %mul3A_753 : f32 to vector<16xf32>
      %sub3A_855 = arith.subf %sub3A_854, %add3A_853 : vector<16xf32>
      %get3A_856 = arith.constant 0 : i32
      %get3A_857 = arith.index_cast %get3A_856 : i32 to index
      %get3A_858 = arith.index_cast %mul3A_822 : i32 to index
      %get3A_859 = tpu.vector_load %arg6[%get3A_857, %get3A_858] {strides = array<i32>} : memref<4x4096xf32, #tpu.memory_space<vmem>>, vector<16xf32>,
      %exp3A = math.exp %sub3A_855 : vector<16xf32>
      %mul3A_860 = arith.mulf %get3A_859, %exp3A : vector<16xf32>
      %add3A_861 = arith.addf %broadcast_in_dim3A_1, %mul3A_860 : vector<16xf32>
      %sub3A_862 = vector.broadcast %squeeze3A_703 : f32 to vector<16xf32>
      %sub3A_863 = arith.subf %get3A_828, %sub3A_862 : vector<16xf32>
      %sub3A_864 = vector.broadcast %squeeze3A_705 : f32 to vector<16xf32>
      %sub3A_865 = arith.subf %get3A_832, %sub3A_864 : vector<16xf32>
      %sub3A_866 = vector.broadcast %squeeze3A_707 : f32 to vector<16xf32>
      %sub3A_867 = arith.subf %get3A_836, %sub3A_866 : vector<16xf32>
      %mul3A_868 = arith.mulf %sub3A_863, %sub3A_863 : vector<16xf32>
      %mul3A_869 = vector.broadcast %squeeze3A_727 : f32 to vector<16xf32>
      %mul3A_870 = arith.mulf %mul3A_868, %mul3A_869 : vector<16xf32>
      %mul3A_871 = arith.mulf %sub3A_865, %sub3A_865 : vector<16xf32>
      %mul3A_872 = vector.broadcast %squeeze3A_729 : f32 to vector<16xf32>
      %mul3A_873 = arith.mulf %mul3A_871, %mul3A_872 : vector<16xf32>
      %add3A_874 = arith.addf %mul3A_870, %mul3A_873 : vector<16xf32>
      %mul3A_875 = arith.mulf %sub3A_867, %sub3A_867 : vector<16xf32>
      %mul3A_876 = vector.broadcast %squeeze3A_731 : f32 to vector<16xf32>
      %mul3A_877 = arith.mulf %mul3A_875, %mul3A_876 : vector<16xf32>
      %add3A_878 = arith.addf %add3A_874, %mul3A_877 : vector<16xf32>
      %sub3A_879 = vector.broadcast %mul3A_763 : f32 to vector<16xf32>
      %sub3A_880 = arith.subf %sub3A_879, %add3A_878 : vector<16xf32>
      %get3A_881 = arith.constant 1 : i32
      %get3A_882 = arith.index_cast %get3A_881 : i32 to index
      %get3A_883 = arith.index_cast %mul3A_822 : i32 to index
      %get3A_884 = tpu.vector_load %arg6[%get3A_882, %get3A_883] {strides = array<i32>} : memref<4x4096xf32, #tpu.memory_space<vmem>>, vector<16xf32>,
      %exp3A_885 = math.exp %sub3A_880 : vector<16xf32>
      %mul3A_886 = arith.mulf %get3A_884, %exp3A_885 : vector<16xf32>
      %add3A_887 = arith.addf %add3A_861, %mul3A_886 : vector<16xf32>
      %sub3A_888 = vector.broadcast %squeeze3A_709 : f32 to vector<16xf32>
      %sub3A_889 = arith.subf %get3A_828, %sub3A_888 : vector<16xf32>
      %sub3A_890 = vector.broadcast %squeeze3A_711 : f32 to vector<16xf32>
      %sub3A_891 = arith.subf %get3A_832, %sub3A_890 : vector<16xf32>
      %sub3A_892 = vector.broadcast %squeeze3A_713 : f32 to vector<16xf32>
      %sub3A_893 = arith.subf %get3A_836, %sub3A_892 : vector<16xf32>
      %mul3A_894 = arith.mulf %sub3A_889, %sub3A_889 : vector<16xf32>
      %mul3A_895 = vector.broadcast %squeeze3A_733 : f32 to vector<16xf32>
      %mul3A_896 = arith.mulf %mul3A_894, %mul3A_895 : vector<16xf32>
      %mul3A_897 = arith.mulf %sub3A_891, %sub3A_891 : vector<16xf32>
      %mul3A_898 = vector.broadcast %squeeze3A_735 : f32 to vector<16xf32>
      %mul3A_899 = arith.mulf %mul3A_897, %mul3A_898 : vector<16xf32>
      %add3A_900 = arith.addf %mul3A_896, %mul3A_899 : vector<16xf32>
      %mul3A_901 = arith.mulf %sub3A_893, %sub3A_893 : vector<16xf32>
      %mul3A_902 = vector.broadcast %squeeze3A_737 : f32 to vector<16xf32>
      %mul3A_903 = arith.mulf %mul3A_901, %mul3A_902 : vector<16xf32>
      %add3A_904 = arith.addf %add3A_900, %mul3A_903 : vector<16xf32>
      %sub3A_905 = vector.broadcast %mul3A_773 : f32 to vector<16xf32>
      %sub3A_906 = arith.subf %sub3A_905, %add3A_904 : vector<16xf32>
      %get3A_907 = arith.constant 2 : i32
      %get3A_908 = arith.index_cast %get3A_907 : i32 to index
      %get3A_909 = arith.index_cast %mul3A_822 : i32 to index
      %get3A_910 = tpu.vector_load %arg6[%get3A_908, %get3A_909] {strides = array<i32>} : memref<4x4096xf32, #tpu.memory_space<vmem>>, vector<16xf32>,
      %exp3A_911 = math.exp %sub3A_906 : vector<16xf32>
      %mul3A_912 = arith.mulf %get3A_910, %exp3A_911 : vector<16xf32>
      %add3A_913 = arith.addf %add3A_887, %mul3A_912 : vector<16xf32>
      %sub3A_914 = vector.broadcast %squeeze3A_715 : f32 to vector<16xf32>
      %sub3A_915 = arith.subf %get3A_828, %sub3A_914 : vector<16xf32>
      %sub3A_916 = vector.broadcast %squeeze3A_717 : f32 to vector<16xf32>
      %sub3A_917 = arith.subf %get3A_832, %sub3A_916 : vector<16xf32>
      %sub3A_918 = vector.broadcast %squeeze3A_719 : f32 to vector<16xf32>
      %sub3A_919 = arith.subf %get3A_836, %sub3A_918 : vector<16xf32>
      %mul3A_920 = arith.mulf %sub3A_915, %sub3A_915 : vector<16xf32>
      %mul3A_921 = vector.broadcast %squeeze3A_739 : f32 to vector<16xf32>
      %mul3A_922 = arith.mulf %mul3A_920, %mul3A_921 : vector<16xf32>
      %mul3A_923 = arith.mulf %sub3A_917, %sub3A_917 : vector<16xf32>
      %mul3A_924 = vector.broadcast %squeeze3A_741 : f32 to vector<16xf32>
      %mul3A_925 = arith.mulf %mul3A_923, %mul3A_924 : vector<16xf32>
      %add3A_926 = arith.addf %mul3A_922, %mul3A_925 : vector<16xf32>
      %mul3A_927 = arith.mulf %sub3A_919, %sub3A_919 : vector<16xf32>
      %mul3A_928 = vector.broadcast %squeeze3A_743 : f32 to vector<16xf32>
      %mul3A_929 = arith.mulf %mul3A_927, %mul3A_928 : vector<16xf32>
      %add3A_930 = arith.addf %add3A_926, %mul3A_929 : vector<16xf32>
      %sub3A_931 = vector.broadcast %mul3A_783 : f32 to vector<16xf32>
      %sub3A_932 = arith.subf %sub3A_931, %add3A_930 : vector<16xf32>
      %get3A_933 = arith.constant 3 : i32
      %get3A_934 = arith.index_cast %get3A_933 : i32 to index
      %get3A_935 = arith.index_cast %mul3A_822 : i32 to index
      %get3A_936 = tpu.vector_load %arg6[%get3A_934, %get3A_935] {strides = array<i32>} : memref<4x4096xf32, #tpu.memory_space<vmem>>, vector<16xf32>,
      %exp3A_937 = math.exp %sub3A_932 : vector<16xf32>
      %mul3A_938 = arith.mulf %get3A_936, %exp3A_937 : vector<16xf32>
      %add3A_939 = arith.addf %add3A_913, %mul3A_938 : vector<16xf32>
      %add3A_940 = arith.constant 1.000000e-10 : f32
      %add3A_941 = vector.broadcast %add3A_940 : f32 to vector<16xf32>
      %add3A_942 = arith.addf %add3A_939, %add3A_941 : vector<16xf32>
      %bitcast_convert_type3A_943 = tpu.bitcast %add3A_942 : vector<16xf32> -> vector<16xi32>
      %shift_right_arithmetic3A_944 = arith.constant 23 : i32
      %shift_right_arithmetic3A_945 = vector.broadcast %shift_right_arithmetic3A_944 : i32 to vector<16xi32>
      %shift_right_arithmetic3A_946 = arith.shrsi %bitcast_convert_type3A_943, %shift_right_arithmetic3A_945 : vector<16xi32>
      %and3A_947 = arith.constant 255 : i32
      %and3A_948 = vector.broadcast %and3A_947 : i32 to vector<16xi32>
      %and3A_949 = arith.andi %shift_right_arithmetic3A_946, %and3A_948 : vector<16xi32>
      %sub3A_950 = arith.constant 127 : i32
      %sub3A_951 = vector.broadcast %sub3A_950 : i32 to vector<16xi32>
      %sub3A_952 = arith.subi %and3A_949, %sub3A_951 : vector<16xi32>
      %and3A_953 = arith.constant 8388607 : i32
      %and3A_954 = vector.broadcast %and3A_953 : i32 to vector<16xi32>
      %and3A_955 = arith.andi %bitcast_convert_type3A_943, %and3A_954 : vector<16xi32>
      %or3A_956 = arith.constant 1065353216 : i32
      %or3A_957 = vector.broadcast %or3A_956 : i32 to vector<16xi32>
      %or3A_958 = arith.ori %and3A_955, %or3A_957 : vector<16xi32>
      %bitcast_convert_type3A_959 = tpu.bitcast %or3A_958 : vector<16xi32> -> vector<16xf32>
      %ge3A_960 = arith.constant 1.41421354 : f32
      %ge3A_961 = vector.broadcast %ge3A_960 : f32 to vector<16xf32>
      %ge3A_962 = arith.cmpf oge, %bitcast_convert_type3A_959, %ge3A_961 : vector<16xf32>
      %mul3A_963 = arith.constant 5.000000e-01 : f32
      %mul3A_964 = vector.broadcast %mul3A_963 : f32 to vector<16xf32>
      %mul3A_965 = arith.mulf %bitcast_convert_type3A_959, %mul3A_964 : vector<16xf32>
      %select_n3A_966 = arith.select %ge3A_962, %mul3A_965, %bitcast_convert_type3A_959 : vector<16xi1>, vector<16xf32>
      %jit3A_967 = arith.constant 1 : i32
      %jit3A_968 = arith.constant 0 : i32
      %broadcast_in_dim3A_969 = vector.broadcast %jit3A_967 : i32 to vector<16xi32>
      %broadcast_in_dim3A_970 = vector.broadcast %jit3A_968 : i32 to vector<16xi32>
      %select_n3A_971 = arith.select %ge3A_962, %broadcast_in_dim3A_969, %broadcast_in_dim3A_970 : vector<16xi1>, vector<16xi32>
      %add3A_972 = arith.addi %sub3A_952, %select_n3A_971 : vector<16xi32>
      %sub3A_973 = arith.constant 1.000000e+00 : f32
      %sub3A_974 = vector.broadcast %sub3A_973 : f32 to vector<16xf32>
      %sub3A_975 = arith.subf %select_n3A_966, %sub3A_974 : vector<16xf32>
      %add3A_976 = arith.constant 1.000000e+00 : f32
      %add3A_977 = vector.broadcast %add3A_976 : f32 to vector<16xf32>
      %add3A_978 = arith.addf %select_n3A_966, %add3A_977 : vector<16xf32>
      %div3A_979 = arith.divf %sub3A_975, %add3A_978 : vector<16xf32>
      %mul3A_980 = arith.mulf %div3A_979, %div3A_979 : vector<16xf32>
      %mul3A_981 = arith.constant 0.111111112 : f32
      %mul3A_982 = vector.broadcast %mul3A_981 : f32 to vector<16xf32>
      %mul3A_983 = arith.mulf %mul3A_980, %mul3A_982 : vector<16xf32>
      %add3A_984 = arith.constant 0.142857149 : f32
      %add3A_985 = vector.broadcast %add3A_984 : f32 to vector<16xf32>
      %add3A_986 = arith.addf %mul3A_983, %add3A_985 : vector<16xf32>
      %mul3A_987 = arith.mulf %add3A_986, %mul3A_980 : vector<16xf32>
      %add3A_988 = arith.constant 2.000000e-01 : f32
      %add3A_989 = vector.broadcast %add3A_988 : f32 to vector<16xf32>
      %add3A_990 = arith.addf %mul3A_987, %add3A_989 : vector<16xf32>
      %mul3A_991 = arith.mulf %add3A_990, %mul3A_980 : vector<16xf32>
      %add3A_992 = arith.constant 0.333333343 : f32
      %add3A_993 = vector.broadcast %add3A_992 : f32 to vector<16xf32>
      %add3A_994 = arith.addf %mul3A_991, %add3A_993 : vector<16xf32>
      %mul3A_995 = arith.mulf %add3A_994, %mul3A_980 : vector<16xf32>
      %add3A_996 = arith.constant 1.000000e+00 : f32
      %add3A_997 = vector.broadcast %add3A_996 : f32 to vector<16xf32>
      %add3A_998 = arith.addf %mul3A_995, %add3A_997 : vector<16xf32>
      %convert_element_type3A_999 = arith.sitofp %add3A_972 : vector<16xi32> to vector<16xf32>
      %mul3A_1000 = arith.constant 0.693147182 : f32
      %mul3A_1001 = vector.broadcast %mul3A_1000 : f32 to vector<16xf32>
      %mul3A_1002 = arith.mulf %convert_element_type3A_999, %mul3A_1001 : vector<16xf32>
      %mul3A_1003 = arith.constant 2.000000e+00 : f32
      %mul3A_1004 = vector.broadcast %mul3A_1003 : f32 to vector<16xf32>
      %mul3A_1005 = arith.mulf %mul3A_1004, %div3A_979 : vector<16xf32>
      %mul3A_1006 = arith.mulf %mul3A_1005, %add3A_998 : vector<16xf32>
      %add3A_1007 = arith.addf %mul3A_1002, %mul3A_1006 : vector<16xf32>
      %mul3A_1008 = arith.mulf %get3A_824, %add3A_1007 : vector<16xf32>
      %add3A_1009 = arith.addf %scan3A_819, %mul3A_1008 : vector<16xf32>
      %add3A_1010 = arith.addf %scan3A_820, %get3A_824 : vector<16xf32>
      scf.yield %add3A_1009, %add3A_1010 : vector<16xf32>, vector<16xf32>
    }
    %scan3A_789 = arith.constant 256 : i32
    %reduce_sum3A_790 = arith.constant true
    %reduce_sum3A_791 = vector.broadcast %reduce_sum3A_790 : i1 to vector<16xi1>
    %reduce_sum3A_792 = tpu.scan <sum>, %scan3A_788#0 masked %reduce_sum3A_791 : vector<16xf32>, vector<16xi1> -> vector<16xf32>
    %reduce_sum3A_793 = vector.extract %reduce_sum3A_792[15] : f32 from vector<16xf32>
    %reduce_sum3A_794 = arith.constant true
    %reduce_sum3A_795 = vector.broadcast %reduce_sum3A_794 : i1 to vector<16xi1>
    %reduce_sum3A_796 = tpu.scan <sum>, %scan3A_788#1 masked %reduce_sum3A_795 : vector<16xf32>, vector<16xi1> -> vector<16xf32>
    %reduce_sum3A_797 = vector.extract %reduce_sum3A_796[15] : f32 from vector<16xf32>
    %iota3A_798 = tpu.iota {dimensions = array<i32: 0>} : vector<16xi32>
    %eq3A_799 = arith.constant 0 : i32
    %eq3A_800 = vector.broadcast %eq3A_799 : i32 to vector<16xi32>
    %eq3A_801 = arith.cmpi eq, %iota3A_798, %eq3A_800 : vector<16xi32>
    %jit3A_802 = arith.constant 0.000000e+00 : f32
    %broadcast_in_dim3A_803 = vector.broadcast %reduce_sum3A_793 : f32 to vector<16xf32>
    %broadcast_in_dim3A_804 = vector.broadcast %jit3A_802 : f32 to vector<16xf32>
    %select_n3A_805 = arith.select %eq3A_801, %broadcast_in_dim3A_803, %broadcast_in_dim3A_804 : vector<16xi1>, vector<16xf32>
    %add3A_806 = arith.addf %broadcast_in_dim3A_1, %select_n3A_805 : vector<16xf32>
    %iota3A_807 = tpu.iota {dimensions = array<i32: 0>} : vector<16xi32>
    %eq3A_808 = arith.constant 8 : i32
    %eq3A_809 = vector.broadcast %eq3A_808 : i32 to vector<16xi32>
    %eq3A_810 = arith.cmpi eq, %iota3A_807, %eq3A_809 : vector<16xi32>
    %jit3A_811 = arith.constant 0.000000e+00 : f32
    %broadcast_in_dim3A_812 = vector.broadcast %reduce_sum3A_797 : f32 to vector<16xf32>
    %broadcast_in_dim3A_813 = vector.broadcast %jit3A_811 : f32 to vector<16xf32>
    %select_n3A_814 = arith.select %eq3A_810, %broadcast_in_dim3A_812, %broadcast_in_dim3A_813 : vector<16xi1>, vector<16xf32>
    %add3A_815 = arith.addf %add3A_806, %select_n3A_814 : vector<16xf32>
    %swap3A_816 = arith.constant 0 : index
    %swap3A_817 = tpu.vector_load %arg11[%swap3A_816] {strides = array<i32>} : memref<16xf32, #tpu.memory_space<vmem>>, vector<16xf32>,
    tpu.vector_store %arg11[%swap3A_816], %add3A_815 {strides = array<i32>} : memref<16xf32, #tpu.memory_space<vmem>>, vector<16xf32>,
    "tpu.region"() ({
      %run_scoped3A = tpu.sem_alloc : memref<!tpu.dma_semaphore, #tpu.memory_space<semaphore_mem>>
      %dma_start3A = arith.constant 0 : i32
      %dma_start3A_818 = tpu.memref_slice %arg5[%arg0, %arg1, %dma_start3A] : memref<2x16x16xf32, #tpu.memory_space<hbm>> -> memref<1x1x16xf32, #tpu.memory_space<hbm>>
      %dma_start3A_819 = tpu.memref_squeeze %dma_start3A_818 : memref<1x1x16xf32, #tpu.memory_space<hbm>> -> memref<16xf32, #tpu.memory_space<hbm>>
      %dma_start3A_820 = arith.constant 0 : i32
      %dma_start3A_821 = tpu.memref_slice %arg5[%arg0, %arg1, %dma_start3A_820] : memref<2x16x16xf32, #tpu.memory_space<hbm>> -> memref<1x1x16xf32, #tpu.memory_space<hbm>>
      %dma_start3A_822 = tpu.memref_squeeze %dma_start3A_821 : memref<1x1x16xf32, #tpu.memory_space<hbm>> -> memref<16xf32, #tpu.memory_space<hbm>>
      tpu.enqueue_dma source(%arg11 : memref<16xf32, #tpu.memory_space<vmem>>) target(%dma_start3A_822 : memref<16xf32, #tpu.memory_space<hbm>>) target_semaphore(%run_scoped3A : memref<!tpu.dma_semaphore, #tpu.memory_space<semaphore_mem>>)
      %dma_wait3A = arith.constant 0 : i32
      %dma_wait3A_823 = tpu.memref_slice %arg5[%arg0, %arg1, %dma_wait3A] : memref<2x16x16xf32, #tpu.memory_space<hbm>> -> memref<1x1x16xf32, #tpu.memory_space<hbm>>
      %dma_wait3A_824 = tpu.memref_squeeze %dma_wait3A_823 : memref<1x1x16xf32, #tpu.memory_space<hbm>> -> memref<16xf32, #tpu.memory_space<hbm>>
      %dma_wait3A_825 = arith.constant 0 : i32
      %dma_wait3A_826 = tpu.memref_slice %arg5[%arg0, %arg1, %dma_wait3A_825] : memref<2x16x16xf32, #tpu.memory_space<hbm>> -> memref<1x1x16xf32, #tpu.memory_space<hbm>>
      %dma_wait3A_827 = tpu.memref_squeeze %dma_wait3A_826 : memref<1x1x16xf32, #tpu.memory_space<hbm>> -> memref<16xf32, #tpu.memory_space<hbm>>
      tpu.wait_dma2 semaphore(%run_scoped3A : memref<!tpu.dma_semaphore, #tpu.memory_space<semaphore_mem>>) src(%arg11 : memref<16xf32, #tpu.memory_space<vmem>>) dst(%dma_wait3A_827 : memref<16xf32, #tpu.memory_space<hbm>>)
      tpu.yield
    }) : () -> ()
    return
  }
}

module attributes {stable_mosaic.version = 14 : i64} {
  func.func @_tc_body(%arg0: i32, %arg1: memref<1x4x256x256xf32, #tpu.memory_space<vmem>>, %arg2: memref<1x3x256x256xf32, #tpu.memory_space<vmem>>, %arg3: memref<1x1x256x256xf32, #tpu.memory_space<vmem>>, %arg4: memref<14xf32, #tpu.memory_space<smem>>) attributes {dimension_semantics = [#tpu.dimension_semantics<arbitrary>], iteration_bounds = array<i64: 14>, scalar_prefetch = 0 : i64, scratch_operands = 0 : i64, tpu.core_type = #tpu.core_type<tc>, window_params = [{transform_indices = @transform_0, window_bounds = array<i64: 1, 4, 256, 256>}, {transform_indices = @transform_1, window_bounds = array<i64: 1, 3, 256, 256>}, {transform_indices = @transform_2, window_bounds = array<i64: 1, 1, 256, 256>}, {transform_indices = @transform_3, window_bounds = array<i64: 14>}]} {
    %get3A = arith.constant 0 : index
    %get3A_0 = arith.constant 0 : index
    %get3A_1 = arith.constant 0 : index
    %get3A_2 = arith.constant 0 : index
    %get3A_3 = vector.load %arg1[%get3A, %get3A_0, %get3A_1, %get3A_2] : memref<1x4x256x256xf32, #tpu.memory_space<vmem>>, vector<1x4x256x256xf32>
    %get3A_4 = vector.shape_cast %get3A_3 : vector<1x4x256x256xf32> to vector<4x256x256xf32>
    %get3A_5 = arith.constant 0 : index
    %get3A_6 = arith.constant 0 : index
    %get3A_7 = arith.constant 0 : index
    %get3A_8 = arith.constant 0 : index
    %get3A_9 = vector.load %arg2[%get3A_5, %get3A_6, %get3A_7, %get3A_8] : memref<1x3x256x256xf32, #tpu.memory_space<vmem>>, vector<1x3x256x256xf32>
    %get3A_10 = vector.shape_cast %get3A_9 : vector<1x3x256x256xf32> to vector<3x256x256xf32>
    %get3A_11 = arith.constant 0 : index
    %get3A_12 = arith.constant 0 : index
    %get3A_13 = arith.constant 0 : index
    %get3A_14 = arith.constant 0 : index
    %get3A_15 = vector.load %arg3[%get3A_11, %get3A_12, %get3A_13, %get3A_14] : memref<1x1x256x256xf32, #tpu.memory_space<vmem>>, vector<1x1x256x256xf32>
    %get3A_16 = vector.shape_cast %get3A_15 : vector<1x1x256x256xf32> to vector<1x256x256xf32>
    %squeeze3A = vector.shape_cast %get3A_16 : vector<1x256x256xf32> to vector<256x256xf32>
    %mul3A = vector.broadcast %get3A_16 : vector<1x256x256xf32> to vector<4x256x256xf32>
    %mul3A_17 = arith.mulf %get3A_4, %mul3A : vector<4x256x256xf32>
    %reduce_sum3A = arith.constant dense<0.000000e+00> : vector<4xf32>
    %reduce_sum3A_18 = vector.multi_reduction <add>, %mul3A_17, %reduce_sum3A [1, 2] : vector<4x256x256xf32> to vector<4xf32>
    %add3A = arith.constant 1.000000e-10 : f32
    %add3A_19 = vector.broadcast %add3A : f32 to vector<4xf32>
    %add3A_20 = arith.addf %reduce_sum3A_18, %add3A_19 : vector<4xf32>
    %slice3A = vector.extract_strided_slice %get3A_10 {offsets = [0, 0, 0], sizes = [1, 256, 256], strides = [1, 1, 1]} : vector<3x256x256xf32> to vector<1x256x256xf32>
    %squeeze3A_21 = vector.shape_cast %slice3A : vector<1x256x256xf32> to vector<256x256xf32>
    %broadcast_in_dim3A = vector.shape_cast %squeeze3A_21 : vector<256x256xf32> to vector<1x256x256xf32>
    %mul3A_22 = vector.broadcast %broadcast_in_dim3A : vector<1x256x256xf32> to vector<4x256x256xf32>
    %mul3A_23 = arith.mulf %mul3A_17, %mul3A_22 : vector<4x256x256xf32>
    %reduce_sum3A_24 = arith.constant dense<0.000000e+00> : vector<4xf32>
    %reduce_sum3A_25 = vector.multi_reduction <add>, %mul3A_23, %reduce_sum3A_24 [1, 2] : vector<4x256x256xf32> to vector<4xf32>
    %broadcast_in_dim3A_26 = vector.shape_cast %squeeze3A_21 : vector<256x256xf32> to vector<1x256x256xf32>
    %mul3A_27 = vector.broadcast %broadcast_in_dim3A_26 : vector<1x256x256xf32> to vector<4x256x256xf32>
    %mul3A_28 = arith.mulf %mul3A_23, %mul3A_27 : vector<4x256x256xf32>
    %reduce_sum3A_29 = arith.constant dense<0.000000e+00> : vector<4xf32>
    %reduce_sum3A_30 = vector.multi_reduction <add>, %mul3A_28, %reduce_sum3A_29 [1, 2] : vector<4x256x256xf32> to vector<4xf32>
    %slice3A_31 = vector.extract_strided_slice %get3A_10 {offsets = [1, 0, 0], sizes = [1, 256, 256], strides = [1, 1, 1]} : vector<3x256x256xf32> to vector<1x256x256xf32>
    %squeeze3A_32 = vector.shape_cast %slice3A_31 : vector<1x256x256xf32> to vector<256x256xf32>
    %broadcast_in_dim3A_33 = vector.shape_cast %squeeze3A_32 : vector<256x256xf32> to vector<1x256x256xf32>
    %mul3A_34 = vector.broadcast %broadcast_in_dim3A_33 : vector<1x256x256xf32> to vector<4x256x256xf32>
    %mul3A_35 = arith.mulf %mul3A_17, %mul3A_34 : vector<4x256x256xf32>
    %reduce_sum3A_36 = arith.constant dense<0.000000e+00> : vector<4xf32>
    %reduce_sum3A_37 = vector.multi_reduction <add>, %mul3A_35, %reduce_sum3A_36 [1, 2] : vector<4x256x256xf32> to vector<4xf32>
    %broadcast_in_dim3A_38 = vector.shape_cast %squeeze3A_32 : vector<256x256xf32> to vector<1x256x256xf32>
    %mul3A_39 = vector.broadcast %broadcast_in_dim3A_38 : vector<1x256x256xf32> to vector<4x256x256xf32>
    %mul3A_40 = arith.mulf %mul3A_35, %mul3A_39 : vector<4x256x256xf32>
    %reduce_sum3A_41 = arith.constant dense<0.000000e+00> : vector<4xf32>
    %reduce_sum3A_42 = vector.multi_reduction <add>, %mul3A_40, %reduce_sum3A_41 [1, 2] : vector<4x256x256xf32> to vector<4xf32>
    %slice3A_43 = vector.extract_strided_slice %get3A_10 {offsets = [2, 0, 0], sizes = [1, 256, 256], strides = [1, 1, 1]} : vector<3x256x256xf32> to vector<1x256x256xf32>
    %squeeze3A_44 = vector.shape_cast %slice3A_43 : vector<1x256x256xf32> to vector<256x256xf32>
    %broadcast_in_dim3A_45 = vector.shape_cast %squeeze3A_44 : vector<256x256xf32> to vector<1x256x256xf32>
    %mul3A_46 = vector.broadcast %broadcast_in_dim3A_45 : vector<1x256x256xf32> to vector<4x256x256xf32>
    %mul3A_47 = arith.mulf %mul3A_17, %mul3A_46 : vector<4x256x256xf32>
    %reduce_sum3A_48 = arith.constant dense<0.000000e+00> : vector<4xf32>
    %reduce_sum3A_49 = vector.multi_reduction <add>, %mul3A_47, %reduce_sum3A_48 [1, 2] : vector<4x256x256xf32> to vector<4xf32>
    %broadcast_in_dim3A_50 = vector.shape_cast %squeeze3A_44 : vector<256x256xf32> to vector<1x256x256xf32>
    %mul3A_51 = vector.broadcast %broadcast_in_dim3A_50 : vector<1x256x256xf32> to vector<4x256x256xf32>
    %mul3A_52 = arith.mulf %mul3A_47, %mul3A_51 : vector<4x256x256xf32>
    %reduce_sum3A_53 = arith.constant dense<0.000000e+00> : vector<4xf32>
    %reduce_sum3A_54 = vector.multi_reduction <add>, %mul3A_52, %reduce_sum3A_53 [1, 2] : vector<4x256x256xf32> to vector<4xf32>
    %stack3A = vector.shape_cast %reduce_sum3A_25 : vector<4xf32> to vector<4x1xf32>
    %stack3A_55 = vector.shape_cast %reduce_sum3A_37 : vector<4xf32> to vector<4x1xf32>
    %stack3A_56 = vector.shape_cast %reduce_sum3A_49 : vector<4xf32> to vector<4x1xf32>
    %stack3A_57 = tpu.concatenate %stack3A, %stack3A_55, %stack3A_56 in 1 : vector<4x1xf32>, vector<4x1xf32>, vector<4x1xf32> -> vector<4x3xf32>
    %stack3A_58 = vector.shape_cast %reduce_sum3A_30 : vector<4xf32> to vector<4x1xf32>
    %stack3A_59 = vector.shape_cast %reduce_sum3A_42 : vector<4xf32> to vector<4x1xf32>
    %stack3A_60 = vector.shape_cast %reduce_sum3A_54 : vector<4xf32> to vector<4x1xf32>
    %stack3A_61 = tpu.concatenate %stack3A_58, %stack3A_59, %stack3A_60 in 1 : vector<4x1xf32>, vector<4x1xf32>, vector<4x1xf32> -> vector<4x3xf32>
    %broadcast_in_dim3A_62 = vector.shape_cast %add3A_20 : vector<4xf32> to vector<4x1xf32>
    %div3A = vector.broadcast %broadcast_in_dim3A_62 : vector<4x1xf32> to vector<4x3xf32>
    %div3A_63 = arith.divf %stack3A_57, %div3A : vector<4x3xf32>
    %broadcast_in_dim3A_64 = vector.shape_cast %add3A_20 : vector<4xf32> to vector<4x1xf32>
    %div3A_65 = vector.broadcast %broadcast_in_dim3A_64 : vector<4x1xf32> to vector<4x3xf32>
    %div3A_66 = arith.divf %stack3A_61, %div3A_65 : vector<4x3xf32>
    %mul3A_67 = arith.mulf %div3A_63, %div3A_63 : vector<4x3xf32>
    %sub3A = arith.subf %div3A_66, %mul3A_67 : vector<4x3xf32>
    %add3A_68 = arith.constant 1.000000e-10 : f32
    %add3A_69 = vector.broadcast %add3A_68 : f32 to vector<4x3xf32>
    %add3A_70 = arith.addf %sub3A, %add3A_69 : vector<4x3xf32>
    %div3A_71 = arith.constant 5.000000e-01 : f32
    %div3A_72 = vector.broadcast %div3A_71 : f32 to vector<4x3xf32>
    %div3A_73 = arith.divf %div3A_72, %add3A_70 : vector<4x3xf32>
    %mul3A_74 = arith.constant 6.28318548 : f32
    %mul3A_75 = vector.broadcast %mul3A_74 : f32 to vector<4x3xf32>
    %mul3A_76 = arith.mulf %mul3A_75, %add3A_70 : vector<4x3xf32>
    %log3A = math.log %mul3A_76 : vector<4x3xf32>
    %reduce_sum3A_77 = arith.constant dense<0.000000e+00> : vector<4xf32>
    %reduce_sum3A_78 = vector.multi_reduction <add>, %log3A, %reduce_sum3A_77 [1] : vector<4x3xf32> to vector<4xf32>
    %mul3A_79 = arith.constant -5.000000e-01 : f32
    %mul3A_80 = vector.broadcast %mul3A_79 : f32 to vector<4xf32>
    %mul3A_81 = arith.mulf %mul3A_80, %reduce_sum3A_78 : vector<4xf32>
    %broadcast_in_dim3A_82 = arith.constant 0.000000e+00 : f32
    %broadcast_in_dim3A_83 = vector.broadcast %broadcast_in_dim3A_82 : f32 to vector<256x256xf32>
    %slice3A_84 = vector.extract_strided_slice %mul3A_81 {offsets = [0], sizes = [1], strides = [1]} : vector<4xf32> to vector<1xf32>
    %squeeze3A_85 = vector.extract %slice3A_84[0] : f32 from vector<1xf32>
    %slice3A_86 = vector.extract_strided_slice %get3A_10 {offsets = [0, 0, 0], sizes = [1, 256, 256], strides = [1, 1, 1]} : vector<3x256x256xf32> to vector<1x256x256xf32>
    %squeeze3A_87 = vector.shape_cast %slice3A_86 : vector<1x256x256xf32> to vector<256x256xf32>
    %slice3A_88 = vector.extract_strided_slice %div3A_63 {offsets = [0, 0], sizes = [1, 1], strides = [1, 1]} : vector<4x3xf32> to vector<1x1xf32>
    %squeeze3A_89 = vector.extract %slice3A_88[0, 0] : f32 from vector<1x1xf32>
    %sub3A_90 = vector.broadcast %squeeze3A_89 : f32 to vector<256x256xf32>
    %sub3A_91 = arith.subf %squeeze3A_87, %sub3A_90 : vector<256x256xf32>
    %integer_pow3A = arith.mulf %sub3A_91, %sub3A_91 : vector<256x256xf32>
    %slice3A_92 = vector.extract_strided_slice %div3A_73 {offsets = [0, 0], sizes = [1, 1], strides = [1, 1]} : vector<4x3xf32> to vector<1x1xf32>
    %squeeze3A_93 = vector.extract %slice3A_92[0, 0] : f32 from vector<1x1xf32>
    %mul3A_94 = vector.broadcast %squeeze3A_93 : f32 to vector<256x256xf32>
    %mul3A_95 = arith.mulf %integer_pow3A, %mul3A_94 : vector<256x256xf32>
    %slice3A_96 = vector.extract_strided_slice %get3A_10 {offsets = [1, 0, 0], sizes = [1, 256, 256], strides = [1, 1, 1]} : vector<3x256x256xf32> to vector<1x256x256xf32>
    %squeeze3A_97 = vector.shape_cast %slice3A_96 : vector<1x256x256xf32> to vector<256x256xf32>
    %slice3A_98 = vector.extract_strided_slice %div3A_63 {offsets = [0, 1], sizes = [1, 1], strides = [1, 1]} : vector<4x3xf32> to vector<1x1xf32>
    %squeeze3A_99 = vector.extract %slice3A_98[0, 0] : f32 from vector<1x1xf32>
    %sub3A_100 = vector.broadcast %squeeze3A_99 : f32 to vector<256x256xf32>
    %sub3A_101 = arith.subf %squeeze3A_97, %sub3A_100 : vector<256x256xf32>
    %integer_pow3A_102 = arith.mulf %sub3A_101, %sub3A_101 : vector<256x256xf32>
    %slice3A_103 = vector.extract_strided_slice %div3A_73 {offsets = [0, 1], sizes = [1, 1], strides = [1, 1]} : vector<4x3xf32> to vector<1x1xf32>
    %squeeze3A_104 = vector.extract %slice3A_103[0, 0] : f32 from vector<1x1xf32>
    %mul3A_105 = vector.broadcast %squeeze3A_104 : f32 to vector<256x256xf32>
    %mul3A_106 = arith.mulf %integer_pow3A_102, %mul3A_105 : vector<256x256xf32>
    %add3A_107 = arith.addf %mul3A_95, %mul3A_106 : vector<256x256xf32>
    %slice3A_108 = vector.extract_strided_slice %get3A_10 {offsets = [2, 0, 0], sizes = [1, 256, 256], strides = [1, 1, 1]} : vector<3x256x256xf32> to vector<1x256x256xf32>
    %squeeze3A_109 = vector.shape_cast %slice3A_108 : vector<1x256x256xf32> to vector<256x256xf32>
    %slice3A_110 = vector.extract_strided_slice %div3A_63 {offsets = [0, 2], sizes = [1, 1], strides = [1, 1]} : vector<4x3xf32> to vector<1x1xf32>
    %squeeze3A_111 = vector.extract %slice3A_110[0, 0] : f32 from vector<1x1xf32>
    %sub3A_112 = vector.broadcast %squeeze3A_111 : f32 to vector<256x256xf32>
    %sub3A_113 = arith.subf %squeeze3A_109, %sub3A_112 : vector<256x256xf32>
    %integer_pow3A_114 = arith.mulf %sub3A_113, %sub3A_113 : vector<256x256xf32>
    %slice3A_115 = vector.extract_strided_slice %div3A_73 {offsets = [0, 2], sizes = [1, 1], strides = [1, 1]} : vector<4x3xf32> to vector<1x1xf32>
    %squeeze3A_116 = vector.extract %slice3A_115[0, 0] : f32 from vector<1x1xf32>
    %mul3A_117 = vector.broadcast %squeeze3A_116 : f32 to vector<256x256xf32>
    %mul3A_118 = arith.mulf %integer_pow3A_114, %mul3A_117 : vector<256x256xf32>
    %add3A_119 = arith.addf %add3A_107, %mul3A_118 : vector<256x256xf32>
    %sub3A_120 = vector.broadcast %squeeze3A_85 : f32 to vector<256x256xf32>
    %sub3A_121 = arith.subf %sub3A_120, %add3A_119 : vector<256x256xf32>
    %slice3A_122 = vector.extract_strided_slice %get3A_4 {offsets = [0, 0, 0], sizes = [1, 256, 256], strides = [1, 1, 1]} : vector<4x256x256xf32> to vector<1x256x256xf32>
    %squeeze3A_123 = vector.shape_cast %slice3A_122 : vector<1x256x256xf32> to vector<256x256xf32>
    %exp3A = math.exp %sub3A_121 : vector<256x256xf32>
    %mul3A_124 = arith.mulf %squeeze3A_123, %exp3A : vector<256x256xf32>
    %add3A_125 = arith.addf %broadcast_in_dim3A_83, %mul3A_124 : vector<256x256xf32>
    %slice3A_126 = vector.extract_strided_slice %mul3A_81 {offsets = [1], sizes = [1], strides = [1]} : vector<4xf32> to vector<1xf32>
    %squeeze3A_127 = vector.extract %slice3A_126[0] : f32 from vector<1xf32>
    %slice3A_128 = vector.extract_strided_slice %get3A_10 {offsets = [0, 0, 0], sizes = [1, 256, 256], strides = [1, 1, 1]} : vector<3x256x256xf32> to vector<1x256x256xf32>
    %squeeze3A_129 = vector.shape_cast %slice3A_128 : vector<1x256x256xf32> to vector<256x256xf32>
    %slice3A_130 = vector.extract_strided_slice %div3A_63 {offsets = [1, 0], sizes = [1, 1], strides = [1, 1]} : vector<4x3xf32> to vector<1x1xf32>
    %squeeze3A_131 = vector.extract %slice3A_130[0, 0] : f32 from vector<1x1xf32>
    %sub3A_132 = vector.broadcast %squeeze3A_131 : f32 to vector<256x256xf32>
    %sub3A_133 = arith.subf %squeeze3A_129, %sub3A_132 : vector<256x256xf32>
    %integer_pow3A_134 = arith.mulf %sub3A_133, %sub3A_133 : vector<256x256xf32>
    %slice3A_135 = vector.extract_strided_slice %div3A_73 {offsets = [1, 0], sizes = [1, 1], strides = [1, 1]} : vector<4x3xf32> to vector<1x1xf32>
    %squeeze3A_136 = vector.extract %slice3A_135[0, 0] : f32 from vector<1x1xf32>
    %mul3A_137 = vector.broadcast %squeeze3A_136 : f32 to vector<256x256xf32>
    %mul3A_138 = arith.mulf %integer_pow3A_134, %mul3A_137 : vector<256x256xf32>
    %slice3A_139 = vector.extract_strided_slice %get3A_10 {offsets = [1, 0, 0], sizes = [1, 256, 256], strides = [1, 1, 1]} : vector<3x256x256xf32> to vector<1x256x256xf32>
    %squeeze3A_140 = vector.shape_cast %slice3A_139 : vector<1x256x256xf32> to vector<256x256xf32>
    %slice3A_141 = vector.extract_strided_slice %div3A_63 {offsets = [1, 1], sizes = [1, 1], strides = [1, 1]} : vector<4x3xf32> to vector<1x1xf32>
    %squeeze3A_142 = vector.extract %slice3A_141[0, 0] : f32 from vector<1x1xf32>
    %sub3A_143 = vector.broadcast %squeeze3A_142 : f32 to vector<256x256xf32>
    %sub3A_144 = arith.subf %squeeze3A_140, %sub3A_143 : vector<256x256xf32>
    %integer_pow3A_145 = arith.mulf %sub3A_144, %sub3A_144 : vector<256x256xf32>
    %slice3A_146 = vector.extract_strided_slice %div3A_73 {offsets = [1, 1], sizes = [1, 1], strides = [1, 1]} : vector<4x3xf32> to vector<1x1xf32>
    %squeeze3A_147 = vector.extract %slice3A_146[0, 0] : f32 from vector<1x1xf32>
    %mul3A_148 = vector.broadcast %squeeze3A_147 : f32 to vector<256x256xf32>
    %mul3A_149 = arith.mulf %integer_pow3A_145, %mul3A_148 : vector<256x256xf32>
    %add3A_150 = arith.addf %mul3A_138, %mul3A_149 : vector<256x256xf32>
    %slice3A_151 = vector.extract_strided_slice %get3A_10 {offsets = [2, 0, 0], sizes = [1, 256, 256], strides = [1, 1, 1]} : vector<3x256x256xf32> to vector<1x256x256xf32>
    %squeeze3A_152 = vector.shape_cast %slice3A_151 : vector<1x256x256xf32> to vector<256x256xf32>
    %slice3A_153 = vector.extract_strided_slice %div3A_63 {offsets = [1, 2], sizes = [1, 1], strides = [1, 1]} : vector<4x3xf32> to vector<1x1xf32>
    %squeeze3A_154 = vector.extract %slice3A_153[0, 0] : f32 from vector<1x1xf32>
    %sub3A_155 = vector.broadcast %squeeze3A_154 : f32 to vector<256x256xf32>
    %sub3A_156 = arith.subf %squeeze3A_152, %sub3A_155 : vector<256x256xf32>
    %integer_pow3A_157 = arith.mulf %sub3A_156, %sub3A_156 : vector<256x256xf32>
    %slice3A_158 = vector.extract_strided_slice %div3A_73 {offsets = [1, 2], sizes = [1, 1], strides = [1, 1]} : vector<4x3xf32> to vector<1x1xf32>
    %squeeze3A_159 = vector.extract %slice3A_158[0, 0] : f32 from vector<1x1xf32>
    %mul3A_160 = vector.broadcast %squeeze3A_159 : f32 to vector<256x256xf32>
    %mul3A_161 = arith.mulf %integer_pow3A_157, %mul3A_160 : vector<256x256xf32>
    %add3A_162 = arith.addf %add3A_150, %mul3A_161 : vector<256x256xf32>
    %sub3A_163 = vector.broadcast %squeeze3A_127 : f32 to vector<256x256xf32>
    %sub3A_164 = arith.subf %sub3A_163, %add3A_162 : vector<256x256xf32>
    %slice3A_165 = vector.extract_strided_slice %get3A_4 {offsets = [1, 0, 0], sizes = [1, 256, 256], strides = [1, 1, 1]} : vector<4x256x256xf32> to vector<1x256x256xf32>
    %squeeze3A_166 = vector.shape_cast %slice3A_165 : vector<1x256x256xf32> to vector<256x256xf32>
    %exp3A_167 = math.exp %sub3A_164 : vector<256x256xf32>
    %mul3A_168 = arith.mulf %squeeze3A_166, %exp3A_167 : vector<256x256xf32>
    %add3A_169 = arith.addf %add3A_125, %mul3A_168 : vector<256x256xf32>
    %slice3A_170 = vector.extract_strided_slice %mul3A_81 {offsets = [2], sizes = [1], strides = [1]} : vector<4xf32> to vector<1xf32>
    %squeeze3A_171 = vector.extract %slice3A_170[0] : f32 from vector<1xf32>
    %slice3A_172 = vector.extract_strided_slice %get3A_10 {offsets = [0, 0, 0], sizes = [1, 256, 256], strides = [1, 1, 1]} : vector<3x256x256xf32> to vector<1x256x256xf32>
    %squeeze3A_173 = vector.shape_cast %slice3A_172 : vector<1x256x256xf32> to vector<256x256xf32>
    %slice3A_174 = vector.extract_strided_slice %div3A_63 {offsets = [2, 0], sizes = [1, 1], strides = [1, 1]} : vector<4x3xf32> to vector<1x1xf32>
    %squeeze3A_175 = vector.extract %slice3A_174[0, 0] : f32 from vector<1x1xf32>
    %sub3A_176 = vector.broadcast %squeeze3A_175 : f32 to vector<256x256xf32>
    %sub3A_177 = arith.subf %squeeze3A_173, %sub3A_176 : vector<256x256xf32>
    %integer_pow3A_178 = arith.mulf %sub3A_177, %sub3A_177 : vector<256x256xf32>
    %slice3A_179 = vector.extract_strided_slice %div3A_73 {offsets = [2, 0], sizes = [1, 1], strides = [1, 1]} : vector<4x3xf32> to vector<1x1xf32>
    %squeeze3A_180 = vector.extract %slice3A_179[0, 0] : f32 from vector<1x1xf32>
    %mul3A_181 = vector.broadcast %squeeze3A_180 : f32 to vector<256x256xf32>
    %mul3A_182 = arith.mulf %integer_pow3A_178, %mul3A_181 : vector<256x256xf32>
    %slice3A_183 = vector.extract_strided_slice %get3A_10 {offsets = [1, 0, 0], sizes = [1, 256, 256], strides = [1, 1, 1]} : vector<3x256x256xf32> to vector<1x256x256xf32>
    %squeeze3A_184 = vector.shape_cast %slice3A_183 : vector<1x256x256xf32> to vector<256x256xf32>
    %slice3A_185 = vector.extract_strided_slice %div3A_63 {offsets = [2, 1], sizes = [1, 1], strides = [1, 1]} : vector<4x3xf32> to vector<1x1xf32>
    %squeeze3A_186 = vector.extract %slice3A_185[0, 0] : f32 from vector<1x1xf32>
    %sub3A_187 = vector.broadcast %squeeze3A_186 : f32 to vector<256x256xf32>
    %sub3A_188 = arith.subf %squeeze3A_184, %sub3A_187 : vector<256x256xf32>
    %integer_pow3A_189 = arith.mulf %sub3A_188, %sub3A_188 : vector<256x256xf32>
    %slice3A_190 = vector.extract_strided_slice %div3A_73 {offsets = [2, 1], sizes = [1, 1], strides = [1, 1]} : vector<4x3xf32> to vector<1x1xf32>
    %squeeze3A_191 = vector.extract %slice3A_190[0, 0] : f32 from vector<1x1xf32>
    %mul3A_192 = vector.broadcast %squeeze3A_191 : f32 to vector<256x256xf32>
    %mul3A_193 = arith.mulf %integer_pow3A_189, %mul3A_192 : vector<256x256xf32>
    %add3A_194 = arith.addf %mul3A_182, %mul3A_193 : vector<256x256xf32>
    %slice3A_195 = vector.extract_strided_slice %get3A_10 {offsets = [2, 0, 0], sizes = [1, 256, 256], strides = [1, 1, 1]} : vector<3x256x256xf32> to vector<1x256x256xf32>
    %squeeze3A_196 = vector.shape_cast %slice3A_195 : vector<1x256x256xf32> to vector<256x256xf32>
    %slice3A_197 = vector.extract_strided_slice %div3A_63 {offsets = [2, 2], sizes = [1, 1], strides = [1, 1]} : vector<4x3xf32> to vector<1x1xf32>
    %squeeze3A_198 = vector.extract %slice3A_197[0, 0] : f32 from vector<1x1xf32>
    %sub3A_199 = vector.broadcast %squeeze3A_198 : f32 to vector<256x256xf32>
    %sub3A_200 = arith.subf %squeeze3A_196, %sub3A_199 : vector<256x256xf32>
    %integer_pow3A_201 = arith.mulf %sub3A_200, %sub3A_200 : vector<256x256xf32>
    %slice3A_202 = vector.extract_strided_slice %div3A_73 {offsets = [2, 2], sizes = [1, 1], strides = [1, 1]} : vector<4x3xf32> to vector<1x1xf32>
    %squeeze3A_203 = vector.extract %slice3A_202[0, 0] : f32 from vector<1x1xf32>
    %mul3A_204 = vector.broadcast %squeeze3A_203 : f32 to vector<256x256xf32>
    %mul3A_205 = arith.mulf %integer_pow3A_201, %mul3A_204 : vector<256x256xf32>
    %add3A_206 = arith.addf %add3A_194, %mul3A_205 : vector<256x256xf32>
    %sub3A_207 = vector.broadcast %squeeze3A_171 : f32 to vector<256x256xf32>
    %sub3A_208 = arith.subf %sub3A_207, %add3A_206 : vector<256x256xf32>
    %slice3A_209 = vector.extract_strided_slice %get3A_4 {offsets = [2, 0, 0], sizes = [1, 256, 256], strides = [1, 1, 1]} : vector<4x256x256xf32> to vector<1x256x256xf32>
    %squeeze3A_210 = vector.shape_cast %slice3A_209 : vector<1x256x256xf32> to vector<256x256xf32>
    %exp3A_211 = math.exp %sub3A_208 : vector<256x256xf32>
    %mul3A_212 = arith.mulf %squeeze3A_210, %exp3A_211 : vector<256x256xf32>
    %add3A_213 = arith.addf %add3A_169, %mul3A_212 : vector<256x256xf32>
    %slice3A_214 = vector.extract_strided_slice %mul3A_81 {offsets = [3], sizes = [1], strides = [1]} : vector<4xf32> to vector<1xf32>
    %squeeze3A_215 = vector.extract %slice3A_214[0] : f32 from vector<1xf32>
    %slice3A_216 = vector.extract_strided_slice %get3A_10 {offsets = [0, 0, 0], sizes = [1, 256, 256], strides = [1, 1, 1]} : vector<3x256x256xf32> to vector<1x256x256xf32>
    %squeeze3A_217 = vector.shape_cast %slice3A_216 : vector<1x256x256xf32> to vector<256x256xf32>
    %slice3A_218 = vector.extract_strided_slice %div3A_63 {offsets = [3, 0], sizes = [1, 1], strides = [1, 1]} : vector<4x3xf32> to vector<1x1xf32>
    %squeeze3A_219 = vector.extract %slice3A_218[0, 0] : f32 from vector<1x1xf32>
    %sub3A_220 = vector.broadcast %squeeze3A_219 : f32 to vector<256x256xf32>
    %sub3A_221 = arith.subf %squeeze3A_217, %sub3A_220 : vector<256x256xf32>
    %integer_pow3A_222 = arith.mulf %sub3A_221, %sub3A_221 : vector<256x256xf32>
    %slice3A_223 = vector.extract_strided_slice %div3A_73 {offsets = [3, 0], sizes = [1, 1], strides = [1, 1]} : vector<4x3xf32> to vector<1x1xf32>
    %squeeze3A_224 = vector.extract %slice3A_223[0, 0] : f32 from vector<1x1xf32>
    %mul3A_225 = vector.broadcast %squeeze3A_224 : f32 to vector<256x256xf32>
    %mul3A_226 = arith.mulf %integer_pow3A_222, %mul3A_225 : vector<256x256xf32>
    %slice3A_227 = vector.extract_strided_slice %get3A_10 {offsets = [1, 0, 0], sizes = [1, 256, 256], strides = [1, 1, 1]} : vector<3x256x256xf32> to vector<1x256x256xf32>
    %squeeze3A_228 = vector.shape_cast %slice3A_227 : vector<1x256x256xf32> to vector<256x256xf32>
    %slice3A_229 = vector.extract_strided_slice %div3A_63 {offsets = [3, 1], sizes = [1, 1], strides = [1, 1]} : vector<4x3xf32> to vector<1x1xf32>
    %squeeze3A_230 = vector.extract %slice3A_229[0, 0] : f32 from vector<1x1xf32>
    %sub3A_231 = vector.broadcast %squeeze3A_230 : f32 to vector<256x256xf32>
    %sub3A_232 = arith.subf %squeeze3A_228, %sub3A_231 : vector<256x256xf32>
    %integer_pow3A_233 = arith.mulf %sub3A_232, %sub3A_232 : vector<256x256xf32>
    %slice3A_234 = vector.extract_strided_slice %div3A_73 {offsets = [3, 1], sizes = [1, 1], strides = [1, 1]} : vector<4x3xf32> to vector<1x1xf32>
    %squeeze3A_235 = vector.extract %slice3A_234[0, 0] : f32 from vector<1x1xf32>
    %mul3A_236 = vector.broadcast %squeeze3A_235 : f32 to vector<256x256xf32>
    %mul3A_237 = arith.mulf %integer_pow3A_233, %mul3A_236 : vector<256x256xf32>
    %add3A_238 = arith.addf %mul3A_226, %mul3A_237 : vector<256x256xf32>
    %slice3A_239 = vector.extract_strided_slice %get3A_10 {offsets = [2, 0, 0], sizes = [1, 256, 256], strides = [1, 1, 1]} : vector<3x256x256xf32> to vector<1x256x256xf32>
    %squeeze3A_240 = vector.shape_cast %slice3A_239 : vector<1x256x256xf32> to vector<256x256xf32>
    %slice3A_241 = vector.extract_strided_slice %div3A_63 {offsets = [3, 2], sizes = [1, 1], strides = [1, 1]} : vector<4x3xf32> to vector<1x1xf32>
    %squeeze3A_242 = vector.extract %slice3A_241[0, 0] : f32 from vector<1x1xf32>
    %sub3A_243 = vector.broadcast %squeeze3A_242 : f32 to vector<256x256xf32>
    %sub3A_244 = arith.subf %squeeze3A_240, %sub3A_243 : vector<256x256xf32>
    %integer_pow3A_245 = arith.mulf %sub3A_244, %sub3A_244 : vector<256x256xf32>
    %slice3A_246 = vector.extract_strided_slice %div3A_73 {offsets = [3, 2], sizes = [1, 1], strides = [1, 1]} : vector<4x3xf32> to vector<1x1xf32>
    %squeeze3A_247 = vector.extract %slice3A_246[0, 0] : f32 from vector<1x1xf32>
    %mul3A_248 = vector.broadcast %squeeze3A_247 : f32 to vector<256x256xf32>
    %mul3A_249 = arith.mulf %integer_pow3A_245, %mul3A_248 : vector<256x256xf32>
    %add3A_250 = arith.addf %add3A_238, %mul3A_249 : vector<256x256xf32>
    %sub3A_251 = vector.broadcast %squeeze3A_215 : f32 to vector<256x256xf32>
    %sub3A_252 = arith.subf %sub3A_251, %add3A_250 : vector<256x256xf32>
    %slice3A_253 = vector.extract_strided_slice %get3A_4 {offsets = [3, 0, 0], sizes = [1, 256, 256], strides = [1, 1, 1]} : vector<4x256x256xf32> to vector<1x256x256xf32>
    %squeeze3A_254 = vector.shape_cast %slice3A_253 : vector<1x256x256xf32> to vector<256x256xf32>
    %exp3A_255 = math.exp %sub3A_252 : vector<256x256xf32>
    %mul3A_256 = arith.mulf %squeeze3A_254, %exp3A_255 : vector<256x256xf32>
    %add3A_257 = arith.addf %add3A_213, %mul3A_256 : vector<256x256xf32>
    %add3A_258 = arith.constant 1.000000e-10 : f32
    %add3A_259 = vector.broadcast %add3A_258 : f32 to vector<256x256xf32>
    %add3A_260 = arith.addf %add3A_257, %add3A_259 : vector<256x256xf32>
    %log3A_261 = math.log %add3A_260 : vector<256x256xf32>
    %mul3A_262 = arith.mulf %squeeze3A, %log3A_261 : vector<256x256xf32>
    %reduce_sum3A_263 = vector.shape_cast %mul3A_262 : vector<256x256xf32> to vector<1x256x256xf32>
    %reduce_sum3A_264 = arith.constant dense<0.000000e+00> : vector<1xf32>
    %reduce_sum3A_265 = vector.multi_reduction <add>, %reduce_sum3A_263, %reduce_sum3A_264 [1, 2] : vector<1x256x256xf32> to vector<1xf32>
    %reduce_sum3A_266 = vector.shape_cast %reduce_sum3A_265 : vector<1xf32> to vector<1x1x1xf32>
    %reduce_sum3A_267 = vector.extract %reduce_sum3A_266[0, 0, 0] : f32 from vector<1x1x1xf32>
    %reduce_sum3A_268 = vector.shape_cast %squeeze3A : vector<256x256xf32> to vector<1x256x256xf32>
    %reduce_sum3A_269 = arith.constant dense<0.000000e+00> : vector<1xf32>
    %reduce_sum3A_270 = vector.multi_reduction <add>, %reduce_sum3A_268, %reduce_sum3A_269 [1, 2] : vector<1x256x256xf32> to vector<1xf32>
    %reduce_sum3A_271 = vector.shape_cast %reduce_sum3A_270 : vector<1xf32> to vector<1x1x1xf32>
    %reduce_sum3A_272 = vector.extract %reduce_sum3A_271[0, 0, 0] : f32 from vector<1x1x1xf32>
    %neg3A = arith.constant 0.000000e+00 : f32
    %neg3A_273 = arith.subf %neg3A, %reduce_sum3A_267 : f32
    %div3A_274 = arith.divf %neg3A_273, %reduce_sum3A_272 : f32
    %swap3A = arith.index_cast %arg0 : i32 to index
    %swap3A_275 = memref.load %arg4[%swap3A] : memref<14xf32, #tpu.memory_space<smem>>
    memref.store %div3A_274, %arg4[%swap3A] : memref<14xf32, #tpu.memory_space<smem>>
    return
  }
  func.func @transform_0(%arg0: i32) -> (i32, i32, i32, i32) {
    %add3A = arith.constant 2 : i32
    %add3A_0 = arith.addi %arg0, %add3A : i32
    %c0_i32 = arith.constant 0 : i32
    %c0_i32_1 = arith.constant 0 : i32
    %c0_i32_2 = arith.constant 0 : i32
    %c0_i32_3 = arith.constant 0 : i32
    return %add3A_0, %c0_i32, %c0_i32_1, %c0_i32_2 : i32, i32, i32, i32
  }
  func.func @transform_1(%arg0: i32) -> (i32, i32, i32, i32) {
    %add3A = arith.constant 2 : i32
    %add3A_0 = arith.addi %arg0, %add3A : i32
    %c0_i32 = arith.constant 0 : i32
    %c0_i32_1 = arith.constant 0 : i32
    %c0_i32_2 = arith.constant 0 : i32
    %c0_i32_3 = arith.constant 0 : i32
    return %add3A_0, %c0_i32, %c0_i32_1, %c0_i32_2 : i32, i32, i32, i32
  }
  func.func @transform_2(%arg0: i32) -> (i32, i32, i32, i32) {
    %add3A = arith.constant 2 : i32
    %add3A_0 = arith.addi %arg0, %add3A : i32
    %c0_i32 = arith.constant 0 : i32
    %c0_i32_1 = arith.constant 0 : i32
    %c0_i32_2 = arith.constant 0 : i32
    %c0_i32_3 = arith.constant 0 : i32
    return %add3A_0, %c0_i32, %c0_i32_1, %c0_i32_2 : i32, i32, i32, i32
  }
  func.func @transform_3(%arg0: i32) -> i32 {
    %c0_i32 = arith.constant 0 : i32
    %c0_i32_0 = arith.constant 0 : i32
    return %c0_i32 : i32
  }
}

</mosaic_0001>

<sc_bundles>
// kernel: kernel.4.cloned.1.call-start
scs
__scs_entry_jumppad:
0x0: {  	(pc) =	sbr.rel $0x88, $3  }
0x1: {  	(tag) =	ssettag $0x0;
	lr =	simm.s32 $0x1  }
0x2: {  	[smem:$0x3F9E] =	sst lr;
	_ =	strace $0xD0000000  }
0x3: {  	_ = 	snop  }
0x4: {  	_ = 	snop  }
0x5: {  	_ = 	snop  }
0x6: {  	_ = 	snop  }
0x7: {  	_ = 	snop  }
__scs_overlays_trampoline_lowered:
0x8: {  	[smem:$0x3FAD] =	sst s0  }
0x9: {  	[smem:$0x3FAE] =	sst s1  }
0xa: {  	[smem:$0x3FAF] =	sst s2  }
0xb: {  	[smem:$0x3FB0] =	sst s3  }
0xc: {  	[smem:$0x3FB1] =	sst s4  }
0xd: {  	[smem:$0x3FB2] =	sst s5  }
0xe: {  	[smem:$0x3FB3] =	sst s6  }
0xf: {  	[smem:$0x3FB4] =	sst s7  }
0x10: {  	[smem:$0x3FB5] =	sst s8  }
0x11: {  	[smem:$0x3FB6] =	sst s9;
	s0 =	simm.s32 @!p0 $0x0  }
0x12: {  	s1 =	sld [smem:$0x3F9C];
	s0 =	simm.s32 @p0 $0x1  }
0x13: {  	[smem:$0x3FB7] =	sst s0;
	s0 =	simm.s32 @!p1 $0x0  }
0x14: {  	s2 =	sld [smem:$0x3F9B];
	s0 =	simm.s32 @p1 $0x1  }
0x15: {  	[smem:$0x3FB8] =	sst s0;
	s0 =	simm.s32 @!p2 $0x0  }
0x16: {  	s3 =	sld [smem:$0x3FDB];
	s0 =	simm.s32 @p2 $0x1  }
0x17: {  	s4 =	simm.s32 $0x1BF5;
	[smem:$0x3FBA] =	sst s0  }
0x18: {  	s0 =	sld [smem:$0x3F9D];
	_ =	swait.ge [sflag:s4], $0x0  }
0x19: {  	s7 =	sld [smem:$0x3F9E]  }
0x1a: {  	s8 =	sadd.s32 $0xFFFFE003, lr  }
0x1b: {  	s9 =	sadd.s32 $0xFFFFFEF7, lr;
	s5 =	simm.s32 $0xFFFFFFFF;
	p2 =	slt.u32 s8, $0xFFFFF086  }
0x1c: {  	p1 =	slt.u32 s9, $0xF7A;
	s5 =	simm.s32 @!p2 $0x0  }
0x1d: {  	s5 =	simm.s32 @p1 $0x1;
	p0 =	seq.s32 s7, s2  }
0x1e: {  	s7 =	smul.u32 @!p0 $0xF7A, s2;
	p2 =	seq.s32 @!p0 s5, $0x0  }
0x1f: {  	s9 =	smul.u32 $0xF7A, s1;
	s8 =	simm.s32 @!p0 $0x1BF5;
	p2 =	por !p2, p0  }
0x20: {  	[sflag:s8] =	ssyncset.s32 @!p0 $0xFFFFF086;
	s6 =	sadd.s32 @!p0 s3, s7;
	s7 =	simm.s32 @!p0 $0x108  }
0x21: {  	s3 =	sadd.s32 s3, s9;
	s6 =	sadd.s32 @!p0 $0x88, s6;
	s7 =	simm.s32 @p2 $0x1082  }
0x22: {  	[simem:s7], [sflag:s8] =	dma.local @!p0 [hbm:s6], $0xF7A  }
0x23: {  	s9 =	sor.u32 $0xD0000000, s2;
	s6 =	simm.s32 $0x108;
	_ =	swait.ge @!p0 [sflag:s8], $0x0  }
0x24: {  	s3 =	sadd.s32 $0x88, s3;
	s6 =	simm.s32 @!p1 $0x1082;
	[sflag:s4] =	ssyncset.s32 $0xFFFFF086  }
0x25: {  	[simem:s6], [sflag:s4] =	dma.local [hbm:s3], $0xF7A  }
0x26: {  	[smem:$0x3F9E] =	sst s1;
	(tag) =	ssettag s2;
	_ =	strace s9  }
0x27: {  	s1 =	sld [smem:$0x3FAE]  }
0x28: {  	s2 =	sld [smem:$0x3FAF]  }
0x29: {  	s4 =	sld [smem:$0x3FB1]  }
0x2a: {  	p0 =	seq.s32 s5, $0x0;
	s5 =	sld [smem:$0x3FB2]  }
0x2b: {  	s6 =	sld [smem:$0x3FB3]  }
0x2c: {  	s7 =	sld [smem:$0x3FB4]  }
0x2d: {  	s3 =	simm.s32 $0x108;
	s8 =	sld [smem:$0x3FB5]  }
0x2e: {  	s3 =	simm.s32 @!p0 $0x1082;
	s9 =	sld [smem:$0x3FB6]  }
0x2f: {  	lr =	sadd.s32 s0, s3;
	s0 =	sld [smem:$0x3FAD]  }
0x30: {  	s3 =	sld [smem:$0x3FB0]  }
0x31: {  	[smem:$0x3FB9] =	sst s10  }
0x32: {  	s10 =	sld [smem:$0x3FB7];
	_ =	sdelay $0x3  }
0x33: {  	p0 =	seq.s32 s10, $0x1;
	s10 =	sld [smem:$0x3FB9];
	_ =	sdelay $0x3  }
0x34: {  	[smem:$0x3FB9] =	sst s10  }
0x35: {  	s10 =	sld [smem:$0x3FB8];
	_ =	sdelay $0x3  }
0x36: {  	p1 =	seq.s32 s10, $0x1;
	s10 =	sld [smem:$0x3FB9];
	_ =	sdelay $0x3  }
0x37: {  	[smem:$0x3FB9] =	sst s10  }
0x38: {  	s10 =	sld [smem:$0x3FBA]  }
0x39: {  	_ = 	snop;
	(pc) =	sbr.ind lr, $3  }
0x3a: {  	_ = 	snop  }
0x3b: {  	_ = 	snop  }
0x3c: {  	p2 =	seq.s32 s10, $0x1;
	s10 =	sld [smem:$0x3FB9]  }
0x3d: {  	_ =	shalt  }
0x3e: {  	_ =	shalt  }
0x3f: {  	_ =	shalt  }
0x40: {  	_ =	shalt  }
0x41: {  	_ =	shalt  }
0x42: {  	_ =	shalt  }
0x43: {  	_ =	shalt  }
0x44: {  	_ =	shalt  }
0x45: {  	_ =	shalt  }
0x46: {  	_ =	shalt  }
0x47: {  	_ =	shalt  }
0x48: {  	_ =	shalt  }
0x49: {  	_ =	shalt  }
0x4a: {  	_ =	shalt  }
0x4b: {  	_ =	shalt  }
0x4c: {  	_ =	shalt  }
0x4d: {  	_ =	shalt  }
0x4e: {  	_ =	shalt  }
0x4f: {  	_ =	shalt  }
0x50: {  	_ =	shalt  }
0x51: {  	_ =	shalt  }
0x52: {  	_ =	shalt  }
0x53: {  	_ =	shalt  }
0x54: {  	_ =	shalt  }
0x55: {  	_ =	shalt  }
0x56: {  	_ =	shalt  }
0x57: {  	_ =	shalt  }
0x58: {  	_ =	shalt  }
0x59: {  	_ =	shalt  }
0x5a: {  	_ =	shalt  }
0x5b: {  	_ =	shalt  }
0x5c: {  	_ =	shalt  }
0x5d: {  	_ =	shalt  }
0x5e: {  	_ =	shalt  }
0x5f: {  	_ =	shalt  }
0x60: {  	_ =	shalt  }
0x61: {  	_ =	shalt  }
0x62: {  	_ =	shalt  }
0x63: {  	_ =	shalt  }
0x64: {  	_ =	shalt  }
0x65: {  	_ =	shalt  }
0x66: {  	_ =	shalt  }
0x67: {  	_ =	shalt  }
0x68: {  	_ =	shalt  }
0x69: {  	_ =	shalt  }
0x6a: {  	_ =	shalt  }
0x6b: {  	_ =	shalt  }
0x6c: {  	_ =	shalt  }
0x6d: {  	_ =	shalt  }
0x6e: {  	_ =	shalt  }
0x6f: {  	_ =	shalt  }
0x70: {  	_ =	shalt  }
0x71: {  	_ =	shalt  }
0x72: {  	_ =	shalt  }
0x73: {  	_ =	shalt  }
0x74: {  	_ =	shalt  }
0x75: {  	_ =	shalt  }
0x76: {  	_ =	shalt  }
0x77: {  	_ =	shalt  }
0x78: {  	_ =	shalt  }
0x79: {  	_ =	shalt  }
0x7a: {  	_ =	shalt  }
0x7b: {  	_ =	shalt  }
0x7c: {  	_ =	shalt  }
0x7d: {  	_ =	shalt  }
0x7e: {  	_ =	shalt  }
0x7f: {  	_ =	shalt  }
0x80: {  	_ =	shalt  }
0x81: {  	_ =	shalt  }
0x82: {  	_ =	shalt  }
0x83: {  	_ =	shalt  }
0x84: {  	_ =	shalt  }
0x85: {  	_ =	shalt  }
0x86: {  	_ =	shalt  }
0x87: {  	_ =	shalt  }
.Lfunc_end0:
.L_simem_size_0:
called_computation_lowered:
.L_overlay_start_0:
0x88: {  	s2 =	sld [smem:$0x3FD9]  }
0x89: {  	s3 =	sld [smem:$0x3FFE];
	_ =	sdelay $0x1  }
0x8a: {  	s1 =	srdreg.scid  }
0x8b: {  	s0 =	sand.u32 $0x1, s1  }
0x8c: {  	s16 =	sshll.u32 s0, $0xA;
	s2 =	sadd.s32 s3, s2  }
0x8d: {  	s2 =	sadd.s32 s2, s16  }
0x8e: {  	[smem:$0x3FC5] =	sst s2  }
0x8f: {  	_ = 	snop  }
0x90: {  	(tm) =	ssettm $0x1  }
0x91: {  	s17 =	sld [smem:$0x3FFB];
	_ =	sdelay $0x3  }
0x92: {  	_ =	strace s17  }
0x93: {  	s2 =	sld [smem:$0x3FFC];
	_ =	sdelay $0x3  }
0x94: {  	_ =	strace s2  }
0x95: {  	s2 =	sld [smem:$0x3FFD];
	_ =	sdelay $0x3  }
0x96: {  	_ =	strace s2  }
0x97: {  	_ =	strace $0x8FFFFFFF  }
0x98: {  	s18 =	sld [smem:$0x3FDB];
	_ =	sdelay $0x1  }
0x99: {  	s19 =	simm.s32 $_scs_section_size  }
0x9a: {  	s4 =	simm.s32 $_size__tile_overlayer_lowered;
	s5 =	simm.s32 $_tile_overlayer_lowered  }
0x9b: {  	s22 =	simm.s32 $0x1BFF;
	s21 =	sshll.u32 s5, $0x1;
	s2 =	sadd.s32 s19, s18  }
0x9c: {  	s6 =	simm.s32 $0x0;
	s20 =	sshll.u32 s4, $0x1;
	s4 =	sadd.s32 s21, s2  }
0x9d: {  	[timem:s6], [sflag:s22] =	dma.local [hbm:s4], s20  }
0x9e: {  	_ =	swait.ge [sflag:s22], s20  }
0x9f: {  	s3 =	ssub.s32 $0x0, s20;
	[sflag:s22] =	ssyncset.done $0x0  }
0xa0: {  	[sflag:s22] =	ssyncadd.s32 s3;
	_ =	sdelay $0x1  }
0xa1: {  	s23 =	simm.s32 $0x1B8B  }
0xa2: {  	_ =	swait.ge [sflag:s23], $0x1  }
0xa3: {  	[sflag:s23] =	ssyncset.done $0x0  }
0xa4: {  	s25 =	simm.s32 $0x1B8E;
	s24 =	sld [smem:$0x3FFE];
	[sflag:s23] =	ssyncadd.s32 $0xFFFFFFFF  }
0xa5: {  	s26 =	simm.s32 $execute0_lowered;
	[smem:$0x3FD2] =	sst s25  }
0xa6: {  	s4 =	sshll.u32 s26, $0x1;
	_ =	strace $0x80000046;
	[dreg:$0x1] =	wrdreg $0xFFFFFFFF  }
0xa7: {  	s28 =	simm.s32 $_size_execute0_lowered;
	s2 =	sadd.s32 s2, s4;
	[dreg:$0x0] =	wrdreg $0x0  }
0xa8: {  	s4 =	sshll.u32 s28, $0x1;
	[dreg:$0x2] =	wrdreg s2  }
0xa9: {  	[dreg:$0x3] =	wrdreg s4  }
0xaa: {  	[dreg:$0x4] =	wrdreg $0xC0  }
0xab: {  	_ =	task [dreg:s6], $0x5FFFF  }
0xac: {  	[dreg:$0x1] =	wrdreg $0xFFFFFFFF  }
0xad: {  	[dreg:$0x0] =	wrdreg $0x60  }
0xae: {  	[dreg:$0x2] =	wrdreg s24  }
0xaf: {  	[dreg:$0x3] =	wrdreg $0x99000  }
0xb0: {  	[dreg:$0x4] =	wrdreg $0x9  }
0xb1: {  	_ =	task.clear_ibuf [dreg:s6], $0x5FFFF;
	_ =	strace $0x90000046  }
0xb2: {  	s29 =	simm.s32 $0x9;
	_ =	strace $0x80000048  }
0xb3: {  	_ =	swait.ge [sflag:s29], $0x1  }
0xb4: {  	[sflag:s29] =	ssyncadd.s32 $0xFFFFFFFF  }
0xb5: {  	_ =	strace $0x90000048  }
0xb6: {  	_ =	sfence  }
0xb7: {  	s30 =	sld [smem:$0x0];
	_ =	sdelay $0x2  }
0xb8: {  	s31 =	sshll.u32 s1, $0xD;
	s1 =	sshrl.u32 s1, $0x2  }
0xb9: {  	s3 =	sand.u32 $0x4000, s31;
	s1 =	sadd.s32 s1, s30  }
0xba: {  	s0 =	sor.u32 s3, s0;
	s1 =	sshll.u32 s1, $0x11  }
0xbb: {  	s0 =	sor.u32 s1, s0  }
0xbc: {  	s0 =	sadd.s32 $0x8F2B, s0  }
0xbd: {  	[sflag:s0] =	ssyncadd.remote.s32 $0x1  }
0xbe: {  	_ =	sfence.sel $0xFFFF  }
0xbf: {  	[dreg:$0x0] =	wrdreg $0xFFFFFFFF;
	(pc) =	sbr.abs _section_cstart, $3  }
0xc0: {  	[dreg:$0x1] =	wrdreg $0xFFFFFFFF  }
0xc1: {  	_ =	task.clear_ibuf [dreg:s6], $0x2FFFF;
	_ =	strace $0x9FFFFFFF  }
0xc2: {  	(tm) =	ssettm $0x7FFFFFFF  }
0xc3: {  	_ =	shalt  }
tec
execute0_lowered:
.L_overlay_start_1:
0x0: {  	(tag) =	ssettag $0x1  }
0x1: {  	s4 =	rddreg [dreg:$0x0]  }
0x2: {  	s1 =	rddreg [dreg:$0x1];
	s2 =	srdreg.scid  }
0x3: {  	s0 =	rddreg [dreg:$0x2];
	s3 =	simm.s32 $0x0;
	s12 =	simm.s32 $0x80  }
0x4: {  	s13 =	simm.s32 $0x400;
	s14 =	simm.s32 $0x8000;
	s15 =	simm.s32 $0x9000  }
0x5: {  	s16 =	simm.s32 $0x9080;
	s17 =	simm.s32 $0x9880;
	s18 =	simm.s32 $0x0  }
0x6: {  	s6 =	sand.u32 $0x1, s2;
	[smem:$0x7FF] =	sst s3;
	s2 =	stileid.u32  }
0x7: {  	s5 =	sshll.u32 s6, $0x4;
	_ =	strace $0x80000047;
	s25 =	sshll.u32 s2, $0x4  }
0x8: {  	s8 =	ssub.s32 $0x2, s6;
	s9 =	sshll.u32 s6, $0xF;
	s10 =	sshll.u32 s2, $0xB  }
0x9: {  	s29 =	sshll.u32 s2, $0xC;
	s30 =	sshll.u32 s6, $0x8;
	s31 =	sshll.u32 s2, $0x7  }
0xa: {  	vm1 =	vmmov $0x1;
	vm3 =	vcmask $0xB08;
	vm5 =	vcmask $0xF0C;
	s7 =	sadd.s32 s5, s4;
	s11 =	sadd.s32 s25, s4;
	s26 =	sshrl.u32 s8, $0x1  }
0xb: {  	vm6 =	vcmask $0x1310;
	vm7 =	vcmask $0x1714;
	vm9 =	vcmask $0x1B18;
	s9 =	sor.u32 s10, s9;
	s10 =	simm.s32 $0x1;
	s28 =	ssub.s32 s8, s26  }
0xc: {  	vm10 =	vcmask $0x1F1C;
	vm11 =	vcmask $0x2320;
	vm12 =	vmmov $0x7fff;
	s4 =	sadd.s32 s4, s9;
	s7 =	sadd.s32 s29, s7;
	s8 =	sadd.s32 s30, s11  }
0xd: {  	vm13 =	vcmask $0x2724;
	vm14 =	vcmask $0x2B28;
	vm15 =	vcmask $0x2F2C;
	s11 =	simm.s32 $0x4000;
	s5 =	sadd.s32 $0x80000, s4;
	s6 =	sadd.s32 $0x100000, s7  }
0xe: {  	v0 =	vimm.s32 $0x0;
	vm4 =	vmmov $0x7;
	vm0 =	vmmov $0xfff;
	s7 =	sadd.s32 s31, s1;
	s8 =	sadd.s32 $0x120000, s8;
	s9 =	smax.u32 s28, $0x1  }
.LBB2_1:
0xf: {  	[tilespmem:s3], [sflag:$0x1] =	stream.linear.gather [hbm4b:s5+s3], $0x4000, $0x38;
	[tilespmem:$0x9920] =	vst v63  }
0x10: {  	_ =	swait.ge [sflag:s10], $0x4000  }
0x11: {  	[sflag:s10] =	ssyncset.done $0x0  }
0x12: {  	[sflag:s10] =	ssyncadd.s32 $0xFFFFC000  }
0x13: {  	[tilespmem:s11], [sflag:$0x1] =	stream.linear.gather [hbm4b:s4+s3], $0x4000, $0x38;
	[tilespmem:$0x9920] =	vst v63  }
0x14: {  	_ =	swait.ge [sflag:s10], $0x4000  }
0x15: {  	[sflag:s10] =	ssyncset.done $0x0  }
0x16: {  	[sflag:s10] =	ssyncadd.s32 $0xFFFFC000  }
0x17: {  	[tilespmem:s14], [sflag:$0x1] =	stream.strided.gather [hbm4b:s6+s12], $0x1000, s13, s12, $0x38;
	[tilespmem:$0x9920] =	vst v63  }
0x18: {  	_ =	swait.ge [sflag:s10], $0x1000  }
0x19: {  	s19 =	sand.u32 $0x70, s3;
	s20 =	sand.u32 $0x3E00, s3;
	[sflag:s10] =	ssyncset.done $0x0  }
0x1a: {  	s19 =	sor.u32 s19, s20;
	[sflag:s10] =	ssyncadd.s32 $0xFFFFF000  }
0x1b: {  	v1 =	vld [tilespmem:s19+$0x180]  }
0x1c: {  	v3 =	vld [tilespmem:s19+$0x80]  }
0x1d: {  	s31 =	simm.s32 $0x0;
	v5 =	vld [tilespmem:s19+$0x0]  }
0x1e: {  	v19 =	vimm.f32 $0.0e+00;
	v27 =	vimm.f32 $0.0e+00;
	v6 =	vld [tilespmem:s31+$0x8000]  }
0x1f: {  	v29 =	vimm.f32 $0.0e+00;
	v21 =	vimm.f32 $0.0e+00;
	v20 =	vimm.f32 $0.0e+00;
	v7 =	vld [tilespmem:s19+$0x100]  }
0x20: {  	v18 =	vimm.f32 $0.0e+00;
	v17 =	vimm.f32 $0.0e+00;
	v15 =	vimm.f32 $0.0e+00;
	v9 =	vld [tilespmem:s19+$0x4000]  }
0x21: {  	v13 =	vimm.f32 $0.0e+00;
	v12 =	vimm.f32 $0.0e+00;
	v10 =	vimm.f32 $0.0e+00;
	v2 =	vld [tilespmem:s19+$0x4080]  }
0x22: {  	v33 =	vimm.f32 $0.0e+00;
	v8 =	vimm.f32 $0.0e+00;
	v30 =	vimm.f32 $0.0e+00;
	v4 =	vld [tilespmem:s19+$0x4100]  }
0x23: {  	v28 =	vimm.f32 $0.0e+00;
	v5 =	vmul.f32 v5, v6;
	v36 =	vmul.f32 v3, v6  }
0x24: {  	v31 =	vimm.f32 $0.0e+00;
	v23 =	vmul.f32 v7, v6;
	v35 =	vmul.f32 v1, v6  }
0x25: {  	v7 =	vimm.f32 $0.0e+00;
	v34 =	vmul.f32 v5, v9;
	v22 =	vadd.f32 v5, v19  }
0x26: {  	v16 =	vadd.f32 v36, v19;
	v6 =	vmul.f32 v5, v2;
	v3 =	vadd.f32 v23, v19  }
0x27: {  	v1 =	vadd.f32 v35, v19;
	v5 =	vmul.f32 v5, v4;
	v37 =	vmul.f32 v35, v4  }
0x28: {  	v32 =	vmul.f32 v36, v2;
	v39 =	vmul.f32 v36, v4;
	v26 =	vadd.f32 v34, v19  }
0x29: {  	v38 =	vmul.f32 v23, v9;
	v25 =	vadd.f32 v6, v19;
	v24 =	vadd.f32 v5, v19  }
0x2a: {  	v41 =	vmul.f32 v6, v2;
	v40 =	vmul.f32 v5, v4;
	v14 =	vadd.f32 v32, v19  }
0x2b: {  	s21 =	simm.s32 $0x10;
	s19 =	simm.s32 $0x40;
	v11 =	vadd.f32 v39, v19;
	v5 =	vimm.f32 $0.0e+00;
	v6 =	vimm.f32 $0.0e+00  }
.LBB2_2:
0x2c: {  	s20 =	smov.u32 s21  }
0x2d: {  	s22 =	sand.u32 $0x70, s21;
	s23 =	sand.u32 $0x3E00, s19;
	v19 =	vadd.f32 v41, v19;
	v27 =	vadd.f32 v38, v27;
	v41 =	vmul.f32 v35, v9;
	s20 =	sadd.s32 $0x10, s21  }
0x2e: {  	s24 =	sshra.s32 s19, $0x2;
	p0 =	sne.s32 s21, $0xFF0;
	v36 =	vmul.f32 v36, v9;
	s22 =	sor.u32 s22, s23;
	v29 =	vadd.f32 v40, v29;
	v40 =	vmul.f32 v35, v2  }
0x2f: {  	v39 =	vmul.f32 v39, v4;
	v42 =	vmul.f32 v23, v2;
	v21 =	vadd.f32 v37, v21;
	v35 =	vld [tilespmem:s22+$0x180]  }
0x30: {  	v38 =	vmul.f32 v38, v9;
	v37 =	vmul.f32 v37, v4;
	v20 =	vadd.f32 v41, v20;
	v43 =	vld [tilespmem:s22+$0x100]  }
0x31: {  	v23 =	vmul.f32 v23, v4;
	v18 =	vadd.f32 v39, v18;
	v39 =	vmul.f32 v40, v2;
	v44 =	vld [tilespmem:s22+$0x80]  }
0x32: {  	v17 =	vadd.f32 v38, v17;
	v38 =	vmul.f32 v41, v9;
	v15 =	vadd.f32 v37, v15;
	v45 =	vld [tilespmem:s22+$0x0]  }
0x33: {  	v34 =	vmul.f32 v34, v9;
	v13 =	vadd.f32 v42, v13;
	v4 =	vmul.f32 v23, v4;
	v37 =	vld [tilespmem:s24+$0x8000]  }
0x34: {  	v12 =	vadd.f32 v23, v12;
	v23 =	vmul.f32 v42, v2;
	v10 =	vadd.f32 v39, v10  }
0x35: {  	v32 =	vmul.f32 v32, v2;
	v33 =	vadd.f32 v34, v33;
	v8 =	vadd.f32 v38, v8;
	v39 =	vld [tilespmem:s22+$0x4000]  }
0x36: {  	v9 =	vmul.f32 v36, v9;
	v7 =	vadd.f32 v23, v7;
	v5 =	vadd.f32 v4, v5;
	v2 =	vld [tilespmem:s22+$0x4080]  }
0x37: {  	v30 =	vadd.f32 v36, v30;
	v28 =	vadd.f32 v32, v28;
	v4 =	vld [tilespmem:s22+$0x4100]  }
0x38: {  	v31 =	vadd.f32 v9, v31;
	v32 =	vmul.f32 v45, v37;
	v36 =	vmul.f32 v44, v37  }
0x39: {  	v6 =	vadd.f32 v40, v6;
	v23 =	vmul.f32 v43, v37;
	v35 =	vmul.f32 v35, v37  }
0x3a: {  	v34 =	vmul.f32 v32, v39;
	v22 =	vadd.f32 v32, v22;
	v16 =	vadd.f32 v36, v16;
	v9 =	vmovc v39  }
.Ltmp0:
0x3b: {  	v3 =	vadd.f32 v23, v3;
	v1 =	vadd.f32 v35, v1;
	v38 =	vmul.f32 v32, v2;
	(pc) =	sbr.rel @p0 .LBB2_2-.Ltmp0, $4  }
0x3c: {  	v40 =	vmul.f32 v32, v4;
	v26 =	vadd.f32 v34, v26;
	v37 =	vmul.f32 v35, v4  }
0x3d: {  	v32 =	vmul.f32 v36, v2;
	v39 =	vmul.f32 v36, v4;
	v25 =	vadd.f32 v38, v25  }
0x3e: {  	v41 =	vmul.f32 v38, v2;
	v38 =	vmul.f32 v23, v9;
	v24 =	vadd.f32 v40, v24  }
0x3f: {  	s19 =	sadd.s32 $0x40, s19;
	s21 =	smov.u32 s20;
	v40 =	vmul.f32 v40, v4;
	v14 =	vadd.f32 v32, v14;
	v11 =	vadd.f32 v39, v11  }
0x40: {  	(xrf2) =	vadd.scan.msk.f32 $0xffff, v22  }
0x41: {  	v34 =	vmul.f32 v34, v9;
	_ =	sdelay $0x1  }
0x42: {  	v22 =	vadd.f32 v34, v33  }
0x43: {  	(xrf2) =	vadd.scan.msk.f32 $0xffff, v26  }
0x44: {  	(xrf2) =	vadd.scan.msk.f32 $0xffff, v22  }
0x45: {  	v19 =	vadd.f32 v41, v19;
	(xrf2) =	vadd.scan.msk.f32 $0xffff, v25;
	v25 =	vmul.f32 v36, v9;
	_ =	sdelay $0x1  }
0x46: {  	(xrf2) =	vadd.scan.msk.f32 $0xffff, v19;
	v26 =	vmul.f32 v25, v9  }
0x47: {  	v22 =	vadd.f32 v40, v29;
	v29 =	vmul.f32 v32, v2;
	(xrf2) =	vadd.scan.msk.f32 $0xffff, v24  }
0x48: {  	v19 =	vadd.f32 v38, v27;
	v27 =	vmul.f32 v39, v4;
	v26 =	vadd.f32 v26, v31;
	v31, _, _ =	vpop (xrf2)  }
0x49: {  	v28 =	vadd.f32 v29, v28;
	v25 =	vadd.f32 v25, v30;
	(xrf2) =	vadd.scan.msk.f32 $0xffff, v22;
	v29 =	vbroadcast v31, $0xF  }
0x4a: {  	vm2 =	vcmask $0x3330;
	v24 =	vmul.f32 v35, v9;
	(xrf2) =	vadd.scan.msk.f32 $0xffff, v16  }
0x4b: {  	v30 =	vmul.f32 v38, v9;
	v22 =	vmul.f32 v35, v2;
	v18 =	vadd.f32 v27, v18;
	(xrf2) =	vadd.scan.msk.f32 $0xffff, v25  }
0x4c: {  	v16 =	vmul.f32 v23, v2;
	v20 =	vadd.f32 v24, v20;
	v25 =	vmul.f32 v37, v4;
	(xrf2) =	vadd.scan.msk.f32 $0xffff, v26;
	v27, _, _ =	vpop (xrf2)  }
0x4d: {  	(xrf2) =	vadd.scan.msk.f32 $0xffff, v14;
	v14 =	vadd.f32 v30, v17;
	v27 =	vbroadcast v27, $0xF;
	v17 =	vnsel vm2, $0x0, v29;
	v29, _, _ =	vpop (xrf2)  }
0x4e: {  	v9 =	vmul.f32 v24, v9;
	v26 =	vmul.f32 v22, v2;
	v17 =	vadd.f32 $0.0e+00, v17;
	(xrf2) =	vadd.scan.msk.f32 $0xffff, v28;
	v24, _, _ =	vpop (xrf2)  }
0x4f: {  	(xrf2) =	vadd.scan.msk.f32 $0xffff, v11;
	v11 =	vadd.f32 v16, v13;
	v13 =	vnsel vm1, $0x0, v27;
	v24 =	vbroadcast v24, $0xF  }
0x50: {  	v15 =	vadd.f32 v25, v15;
	vm2 =	vcmask $0x704;
	v25, _, _ =	vpop (xrf2);
	(xrf2) =	vadd.scan.msk.f32 $0xffff, v18;
	v13 =	vadd.f32 v13, v17  }
0x51: {  	v2 =	vmul.f32 v16, v2;
	v16, _, _ =	vpop (xrf2);
	(xrf2) =	vadd.scan.msk.f32 $0xffff, v3;
	v3 =	vadd.f32 v26, v10;
	v10 =	vnsel vm2, $0x0, v24  }
0x52: {  	v8 =	vadd.f32 v9, v8;
	v9 =	vadd.f32 v10, v13  }
0x53: {  	v16 =	vbroadcast v16, $0xF;
	v17, _, _ =	vpop (xrf2)  }
0x54: {  	v23 =	vmul.f32 v23, v4;
	v10, _, _ =	vpop (xrf2)  }
0x55: {  	v2 =	vadd.f32 v2, v7;
	v7 =	vnsel vm3, $0x0, v16;
	v10 =	vbroadcast v10, $0xF  }
0x56: {  	vm8 =	vcmask $0x3734;
	v4 =	vmul.f32 v23, v4;
	v7 =	vadd.f32 v7, v9;
	v9, _, _ =	vpop (xrf2)  }
0x57: {  	v12 =	vadd.f32 v23, v12;
	(xrf2) =	vadd.scan.msk.f32 $0xffff, v19;
	v10 =	vnsel vm8, $0x0, v10;
	v9 =	vbroadcast v9, $0xF  }
0x58: {  	v4 =	vadd.f32 v4, v5;
	v5 =	vbroadcast v29, $0xF;
	(xrf2) =	vadd.scan.msk.f32 $0xffff, v14;
	v7 =	vadd.f32 v10, v7  }
0x59: {  	(xrf2) =	vadd.scan.msk.f32 $0xffff, v11;
	v11, _, _ =	vpop (xrf2);
	v9 =	vnsel vm5, $0x0, v9  }
0x5a: {  	(xrf2) =	vadd.scan.msk.f32 $0xffff, v2;
	v2 =	vnsel vm1, $0x0, v5;
	v5 =	vbroadcast v25, $0xF;
	v10, _, _ =	vpop (xrf2);
	v7 =	vadd.f32 v9, v7  }
0x5b: {  	v2 =	vadd.f32 $0.0e+00, v2;
	(xrf2) =	vadd.scan.msk.f32 $0xffff, v12;
	v10 =	vbroadcast v10, $0xF;
	v12, _, _ =	vpop (xrf2)  }
0x5c: {  	v13 =	vbroadcast v17, $0xF;
	v5 =	vnsel vm2, $0x0, v5;
	v9, _, _ =	vpop (xrf2)  }
0x5d: {  	v2 =	vadd.f32 v5, v2;
	(xrf2) =	vadd.scan.msk.f32 $0xffff, v4;
	v4 =	vnsel vm6, $0x0, v10;
	v5 =	vbroadcast v9, $0xF;
	v9, _, _ =	vpop (xrf2)  }
0x5e: {  	v6 =	vadd.f32 v22, v6;
	(xrf2) =	vadd.scan.msk.f32 $0xffff, v1;
	v1 =	vnsel vm3, $0x0, v13;
	v4 =	vadd.f32 v4, v7;
	v7, _, _ =	vpop (xrf2)  }
0x5f: {  	v1 =	vadd.f32 v1, v2;
	v2 =	vnsel vm7, $0x0, v5;
	v5 =	vbroadcast v7, $0xF  }
0x60: {  	vm2 =	vcmask $0x3B38;
	v10 =	vbroadcast v11, $0xF  }
0x61: {  	(xrf2) =	vadd.scan.msk.f32 $0xffff, v20;
	v5 =	vnsel vm2, $0x0, v5  }
0x62: {  	(xrf2) =	vadd.scan.msk.f32 $0xffff, v8;
	v8 =	vbroadcast v12, $0xF;
	v7 =	vnsel vm5, $0x0, v10;
	v2 =	vadd.f32 v2, v4;
	v4, _, _ =	vpop (xrf2)  }
0x63: {  	v21 =	vadd.f32 v37, v21;
	v1 =	vadd.f32 v7, v1;
	(xrf2) =	vadd.scan.msk.f32 $0xffff, v6;
	v4 =	vbroadcast v4, $0xF;
	v6, _, _ =	vpop (xrf2)  }
0x64: {  	v7 =	vbroadcast v9, $0xF;
	v2 =	vadd.f32 v5, v2;
	(xrf2) =	vadd.scan.msk.f32 $0xffff, v3;
	v3 =	vnsel vm6, $0x0, v8;
	v5, _, _ =	vpop (xrf2)  }
0x65: {  	(xrf2) =	vadd.scan.msk.f32 $0xffff, v21;
	v1 =	vadd.f32 v3, v1;
	v3 =	vnsel vm9, $0x0, v4;
	v4 =	vbroadcast v5, $0xF;
	v5, _, _ =	vpop (xrf2)  }
0x66: {  	v7 =	vnsel vm7, $0x0, v7;
	(xrf2) =	vadd.scan.msk.f32 $0xffff, v15;
	v8, _, _ =	vpop (xrf2)  }
0x67: {  	v2 =	vadd.f32 v3, v2;
	v3 =	vbroadcast v6, $0xF;
	v6 =	vbroadcast v8, $0xF  }
0x68: {  	v1 =	vadd.f32 v7, v1;
	v4 =	vnsel vm10, $0x0, v4  }
0x69: {  	v7, _, _ =	vpop (xrf2);
	v3 =	vnsel vm9, $0x0, v3;
	v2 =	vadd.f32 v4, v2;
	v4 =	vbroadcast v5, $0xF  }
0x6a: {  	v5, _, _ =	vpop (xrf2);
	v1 =	vadd.f32 v3, v1;
	v3 =	vnsel vm11, $0x0, v6  }
0x6b: {  	v4 =	vnsel vm10, $0x0, v4;
	v2 =	vadd.f32 v3, v2;
	v3 =	vbroadcast v7, $0xF;
	v6, _, _ =	vpop (xrf2)  }
0x6c: {  	v1 =	vadd.f32 v4, v1;
	v4 =	vsel vm12, $0x0, v5;
	v7, _, _ =	vpop (xrf2);
	v5 =	vbroadcast v6, $0xF  }
0x6d: {  	v3 =	vnsel vm11, $0x0, v3;
	v2 =	vadd.f32 v4, v2;
	v4 =	vbroadcast v7, $0xF;
	v6, _, _ =	vpop (xrf2)  }
0x6e: {  	v1 =	vadd.f32 v3, v1;
	v3 =	vnsel vm13, $0x0, v5;
	v5 =	vbroadcast v6, $0xF;
	v6, _, _ =	vpop (xrf2)  }
0x6f: {  	v2 =	vadd.f32 v3, v2;
	v3 =	vnsel vm13, $0x0, v4;
	v4 =	vbroadcast v6, $0xF;
	v6, _, _ =	vpop (xrf2)  }
0x70: {  	v1 =	vadd.f32 v3, v1;
	v3 =	vnsel vm14, $0x0, v5;
	v5 =	vbroadcast v6, $0xF;
	v6, _, _ =	vpop (xrf2)  }
0x71: {  	v2 =	vadd.f32 v3, v2;
	v3 =	vnsel vm14, $0x0, v4;
	v4 =	vbroadcast v6, $0xF  }
0x72: {  	v1 =	vadd.f32 v3, v1;
	v3 =	vnsel vm15, $0x0, v5  }
0x73: {  	v2 =	vadd.f32 v3, v2;
	v3 =	vnsel vm15, $0x0, v4  }
0x74: {  	v1 =	vadd.f32 v3, v1  }
0x75: {  	[tilespmem:$0x9000] =	vst v2  }
0x76: {  	[tilespmem:$0x9010] =	vst v1  }
0x77: {  	[spmem:s7] =	stream.linear.scatter [tilespmem:s15], [sflag:$0x1], $0x20, $0x38;
	[tilespmem:$0x9920] =	vst v63  }
0x78: {  	_ =	swait.ge [sflag:s10], $0x20  }
0x79: {  	[sflag:s10] =	ssyncset.done $0x0  }
0x7a: {  	[sflag:s10] =	ssyncadd.s32 $0xFFFFFFE0  }
0x7b: {  	[bflag:$0x0] =	sbarrier.arrive $0xFFFF  }
0x7c: {  	[tilespmem:s16], [sflag:$0x1] =	stream.linear.gather [spmem:s1], $0x800, $0x38;
	[tilespmem:$0x9920] =	vst v63  }
0x7d: {  	_ =	swait.ge [sflag:s10], $0x800  }
0x7e: {  	[sflag:s10] =	ssyncset.done $0x0  }
0x7f: {  	[sflag:s10] =	ssyncadd.s32 $0xFFFFF800  }
0x80: {  	[bflag:$0x0] =	sbarrier.arrive $0xFFFF  }
0x81: {  	v1 =	vld [tilespmem:$0x9080];
	_ =	sdelay $0x1  }
0x82: {  	v2 =	vld [tilespmem:$0x9100];
	_ =	sdelay $0x1  }
0x83: {  	v3 =	vld [tilespmem:$0x9180]  }
0x84: {  	v1 =	vadd.f32 $0.0e+00, v1  }
0x85: {  	v4 =	vld [tilespmem:$0x9200]  }
0x86: {  	v1 =	vadd.f32 v2, v1  }
0x87: {  	v2 =	vld [tilespmem:$0x9280]  }
0x88: {  	v1 =	vadd.f32 v3, v1  }
0x89: {  	v3 =	vld [tilespmem:$0x9300]  }
0x8a: {  	v1 =	vadd.f32 v4, v1  }
0x8b: {  	v4 =	vld [tilespmem:$0x9380]  }
0x8c: {  	v1 =	vadd.f32 v2, v1  }
0x8d: {  	v2 =	vld [tilespmem:$0x9400]  }
0x8e: {  	v1 =	vadd.f32 v3, v1  }
0x8f: {  	v3 =	vld [tilespmem:$0x9480]  }
0x90: {  	v1 =	vadd.f32 v4, v1  }
0x91: {  	v4 =	vld [tilespmem:$0x9500]  }
0x92: {  	v1 =	vadd.f32 v2, v1  }
0x93: {  	v2 =	vld [tilespmem:$0x9580]  }
0x94: {  	v1 =	vadd.f32 v3, v1  }
0x95: {  	v3 =	vld [tilespmem:$0x9600]  }
0x96: {  	v1 =	vadd.f32 v4, v1  }
0x97: {  	v4 =	vld [tilespmem:$0x9680]  }
0x98: {  	v1 =	vadd.f32 v2, v1  }
0x99: {  	v2 =	vld [tilespmem:$0x9700]  }
0x9a: {  	v1 =	vadd.f32 v3, v1  }
0x9b: {  	v3 =	vld [tilespmem:$0x9780]  }
0x9c: {  	v1 =	vadd.f32 v4, v1  }
0x9d: {  	v4 =	vld [tilespmem:$0x9800]  }
0x9e: {  	v1 =	vadd.f32 v2, v1;
	_ =	sdelay $0x1  }
0x9f: {  	v1 =	vadd.f32 v3, v1;
	_ =	sdelay $0x1  }
0xa0: {  	v1 =	vadd.f32 v4, v1  }
0xa1: {  	vm2 =	vcmask $0x2F34  }
0xa2: {  	v2 =	vsel vm2, $0x0, v1  }
0xa3: {  	vm2 =	vcmask $0x3338;
	(xrf2) =	vadd.scan.msk.f32 $0xffff, v2  }
0xa4: {  	v2 =	vsel vm2, $0x0, v1;
	vm2 =	vcmask $0x373C  }
0xa5: {  	(xrf2) =	vadd.scan.msk.f32 $0xffff, v2;
	v2 =	vsel vm2, $0x0, v1  }
0xa6: {  	(xrf2) =	vadd.scan.msk.f32 $0xffff, v2;
	v2 =	vsel vm12, $0x0, v1  }
0xa7: {  	(xrf2) =	vadd.scan.msk.f32 $0xffff, v2;
	_ =	sdelay $0x4  }
0xa8: {  	v2 =	vld [tilespmem:$0x9090]  }
0xa9: {  	v3, _, _ =	vpop (xrf2)  }
0xaa: {  	v4 =	vld [tilespmem:$0x9110];
	(v2sf) =	vpush v3, $0xF  }
0xab: {  	v3, _, _ =	vpop (xrf2)  }
0xac: {  	v6 =	vld [tilespmem:$0x9190];
	v5, _, _ =	vpop (xrf2);
	(v2sf) =	vpush v3, $0xF  }
0xad: {  	v2 =	vadd.f32 $0.0e+00, v2;
	(v2sf) =	vpush v5, $0xF;
	v3, _, _ =	vpop (xrf2)  }
0xae: {  	v5 =	vld [tilespmem:$0x9210];
	(v2sf) =	vpush v3, $0xF  }
0xaf: {  	v2 =	vadd.f32 v4, v2  }
0xb0: {  	v3 =	vld [tilespmem:$0x9290]  }
0xb1: {  	v2 =	vadd.f32 v6, v2  }
0xb2: {  	v4 =	vld [tilespmem:$0x9310]  }
0xb3: {  	v2 =	vadd.f32 v5, v2  }
0xb4: {  	v5 =	vld [tilespmem:$0x9390]  }
0xb5: {  	v2 =	vadd.f32 v3, v2  }
0xb6: {  	v3 =	vld [tilespmem:$0x9410]  }
0xb7: {  	v2 =	vadd.f32 v4, v2  }
0xb8: {  	v4 =	vld [tilespmem:$0x9490]  }
0xb9: {  	v2 =	vadd.f32 v5, v2;
	s19 =	spop (v2sf)  }
0xba: {  	v5 =	vld [tilespmem:$0x9510];
	s19 =	sadd.f32 $1.000000010e-10, s19  }
0xbb: {  	v2 =	vadd.f32 v3, v2;
	s20 =	spop (v2sf)  }
0xbc: {  	v3 =	vld [tilespmem:$0x9590];
	s28 =	sadd.f32 $1.000000010e-10, s20;
	s29 =	spop (v2sf);
	v6 =	vmov s19  }
0xbd: {  	vm2 =	vcmask $0xB30;
	v2 =	vadd.f32 v4, v2;
	s20 =	sadd.f32 $1.000000010e-10, s29;
	s21 =	spop (v2sf);
	v4 =	vnsel vm4, $0x3F800000, v6  }
0xbe: {  	v6 =	vld [tilespmem:$0x9610];
	s30 =	sadd.f32 $1.000000010e-10, s21;
	v4 =	vnsel vm2, s28, v4;
	vm2 =	vcmask $0x1730  }
0xbf: {  	v2 =	vadd.f32 v5, v2;
	v4 =	vnsel vm2, s20, v4;
	vm2 =	vcmask $0x2330  }
0xc0: {  	v5 =	vld [tilespmem:$0x9690];
	v4 =	vnsel vm2, s30, v4  }
0xc1: {  	v2 =	vadd.f32 v3, v2;
	(erf) = vrcp.f32 v4  }
0xc2: {  	v3 =	vld [tilespmem:$0x9710]  }
0xc3: {  	v2 =	vadd.f32 v6, v2  }
0xc4: {  	v4 =	vld [tilespmem:$0x9790]  }
0xc5: {  	v2 =	vadd.f32 v5, v2  }
0xc6: {  	v5 =	vld [tilespmem:$0x9810]  }
0xc7: {  	v2 =	vadd.f32 v3, v2;
	_ =	sdelay $0x1  }
0xc8: {  	v2 =	vadd.f32 v4, v2  }
0xc9: {  	v3 =	vpop (erf)  }
0xca: {  	v2 =	vadd.f32 v5, v2;
	v23 =	vmul.f32 v3, v1;
	_ =	sdelay $0x1  }
0xcb: {  	v1 =	vmul.f32 v3, v2;
	v2 =	vmul.f32 v23, v23;
	_ =	sdelay $0x1  }
0xcc: {  	v1 =	vsub.f32 v1, v2;
	_ =	sdelay $0x1  }
0xcd: {  	v1 =	vadd.f32 $1.000000010e-10, v1;
	_ =	sdelay $0x1  }
0xce: {  	v1 =	vnsel vm0, $0x3F800000, v1  }
0xcf: {  	v2 =	vand.u32 $0x7FFFFF, v1  }
0xd0: {  	v2 =	vor.u32 $0x3F800000, v2  }
0xd1: {  	v3 =	vmul.f32 $5.000000000e-01, v2  }
0xd2: {  	vm8 =	vge.f32 v2, $1.414213540e+00  }
0xd3: {  	v2 =	vsel vm8, v3, v2  }
0xd4: {  	v3 =	vadd.f32 $1.000000000e+00, v2  }
0xd5: {  	(erf) = vrcp.f32 v1  }
0xd6: {  	(erf) = vrcp.f32 v3;
	_ =	sdelay $0x7  }
0xd7: {  	v2 =	vadd.f32 $-1.000000000e+00, v2;
	v3 =	vpop (erf)  }
0xd8: {  	v4 =	vpop (erf)  }
0xd9: {  	v2 =	vmul.f32 v4, v2;
	_ =	sdelay $0x1  }
0xda: {  	v4 =	vmul.f32 v2, v2;
	_ =	sdelay $0x1  }
0xdb: {  	v5 =	vmul.f32 $1.111111120e-01, v4;
	_ =	sdelay $0x1  }
0xdc: {  	v5 =	vadd.f32 $1.428571490e-01, v5;
	_ =	sdelay $0x1  }
0xdd: {  	v5 =	vmul.f32 v5, v4;
	_ =	sdelay $0x1  }
0xde: {  	v5 =	vadd.f32 $2.000000030e-01, v5;
	_ =	sdelay $0x1  }
0xdf: {  	v5 =	vmul.f32 v5, v4;
	_ =	sdelay $0x1  }
0xe0: {  	v1 =	vshrl.u32 v1, $0x17;
	v5 =	vadd.f32 $3.333333430e-01, v5  }
0xe1: {  	v1 =	vand.u32 $0xFF, v1;
	v6 =	vsel vm8, $0x1, v0  }
0xe2: {  	v1 =	vadd.s32 v6, v1;
	v4 =	vmul.f32 v5, v4  }
0xe3: {  	v1 =	vadd.s32 $0xFFFFFF81, v1  }
0xe4: {  	v1 =	vcvt.s32.f32 v1;
	v2 =	vadd.f32 v2, v2;
	v4 =	vadd.f32 $1.000000000e+00, v4;
	_ =	sdelay $0x1  }
0xe5: {  	v1 =	vmul.f32 $6.931471820e-01, v1;
	v2 =	vmul.f32 v4, v2;
	_ =	sdelay $0x1  }
0xe6: {  	v1 =	vadd.f32 v2, v1;
	_ =	sdelay $0x1  }
0xe7: {  	v1 =	vadd.f32 $1.837877040e+00, v1;
	_ =	sdelay $0x1  }
0xe8: {  	(v2sf) =	vpush v1, $0x0  }
0xe9: {  	(v2sf) =	vpush v1, $0x1;
	_ =	sdelay $0x1  }
0xea: {  	(v2sf) =	vpush v1, $0x2;
	_ =	sdelay $0x9  }
0xeb: {  	(v2sf) =	vpush v1, $0x3  }
0xec: {  	v7 =	vbroadcast v23, $0x3;
	(v2sf) =	vpush v1, $0x4  }
0xed: {  	v8 =	vbroadcast v23, $0x4;
	v9 =	vbroadcast v23, $0x5;
	(v2sf) =	vpush v1, $0x5;
	s31 =	spop (v2sf)  }
0xee: {  	v13 =	vbroadcast v23, $0x6;
	v14 =	vbroadcast v23, $0x7;
	(v2sf) =	vpush v1, $0x6;
	s23 =	spop (v2sf)  }
0xef: {  	s28 =	simm.s32 $0x0;
	v15 =	vbroadcast v23, $0x8;
	v26 =	vmul.f32 $5.000000000e-01, v3;
	(v2sf) =	vpush v1, $0x7;
	s19 =	sadd.f32 s23, s31  }
0xf0: {  	s29 =	sand.u32 $0x70, s28;
	v20 =	vbroadcast v23, $0x9;
	v22 =	vbroadcast v23, $0xA;
	(v2sf) =	vpush v1, $0x8;
	s24 =	spop (v2sf);
	s23 =	sand.u32 $0x3E00, s28  }
0xf1: {  	v3 =	vbroadcast v23, $0x2;
	v6 =	vbroadcast v26, $0x2;
	(v2sf) =	vpush v1, $0x9;
	s24 =	sadd.f32 s19, s24;
	s19 =	sor.u32 s29, s23  }
0xf2: {  	v10 =	vbroadcast v26, $0x3;
	v11 =	vbroadcast v26, $0x4;
	(v2sf) =	vpush v1, $0xA;
	v28 =	vld [tilespmem:s19+$0x4100]  }
0xf3: {  	v12 =	vbroadcast v26, $0x5;
	v17 =	vbroadcast v26, $0x6;
	v29 =	vld [tilespmem:s19+$0x4080]  }
0xf4: {  	v18 =	vbroadcast v26, $0x7;
	v19 =	vbroadcast v26, $0x8;
	v30 =	vld [tilespmem:s19+$0x4000]  }
0xf5: {  	v24 =	vbroadcast v26, $0x9;
	v25 =	vbroadcast v26, $0xA  }
0xf6: {  	v5 =	vbroadcast v26, $0x1;
	v2 =	vbroadcast v23, $0x1  }
0xf7: {  	(v2sf) =	vpush v1, $0xB;
	v1 =	vbroadcast v23, $0x0;
	v27 =	vsub.f32 v28, v9  }
0xf8: {  	v4 =	vbroadcast v26, $0x0;
	v31 =	vsub.f32 v29, v2;
	v52 =	vsub.f32 v29, v14  }
0xf9: {  	v23 =	vbroadcast v23, $0xB;
	v54 =	vsub.f32 v30, v1;
	v55 =	vsub.f32 v30, v13  }
0xfa: {  	v26 =	vbroadcast v26, $0xB;
	s20 =	spop (v2sf);
	v56 =	vsub.f32 v28, v15;
	v57 =	vsub.f32 v30, v20  }
0xfb: {  	s22 =	spop (v2sf);
	v58 =	vsub.f32 v29, v22;
	v59 =	vsub.f32 v28, v23;
	v31 =	vmul.f32 v31, v31  }
0xfc: {  	s21 =	spop (v2sf);
	v30 =	vsub.f32 v30, v7;
	v32 =	vmul.f32 v52, v52;
	v34 =	vmul.f32 v54, v54  }
0xfd: {  	s25 =	spop (v2sf);
	v28 =	vsub.f32 v28, v3;
	v35 =	vmul.f32 v55, v55;
	v36 =	vmul.f32 v56, v56  }
0xfe: {  	s26 =	spop (v2sf);
	v29 =	vsub.f32 v29, v8;
	v37 =	vmul.f32 v57, v57;
	v38 =	vmul.f32 v58, v58  }
0xff: {  	s25 =	sadd.f32 s26, s25;
	s28 =	spop (v2sf);
	v39 =	vmul.f32 v59, v59;
	v28 =	vmul.f32 v28, v28  }
0x100: {  	s29 =	simm.s32 $0x40;
	s30 =	spop (v2sf);
	v29 =	vmul.f32 v29, v29;
	v30 =	vmul.f32 v30, v30  }
0x101: {  	s25 =	sadd.f32 s25, s28;
	s31 =	spop (v2sf);
	s28 =	simm.s32 $0x10;
	v32 =	vmul.f32 v32, v18;
	v35 =	vmul.f32 v35, v17  }
0x102: {  	s23 =	sadd.f32 s31, s30;
	s30 =	sand.u32 $0x70, s28;
	s31 =	sand.u32 $0x3E00, s29;
	v31 =	vmul.f32 v31, v5;
	v37 =	vmul.f32 v37, v24  }
0x103: {  	s22 =	sadd.f32 s22, s20;
	s20 =	sor.u32 s30, s31;
	v38 =	vmul.f32 v38, v25;
	v34 =	vmul.f32 v34, v4  }
0x104: {  	v49 =	vld [tilespmem:s20+$0x4080];
	v60 =	vmul.f32 v36, v19;
	v62 =	vmul.f32 v39, v26  }
0x105: {  	v48 =	vld [tilespmem:s20+$0x4000];
	v29 =	vmul.f32 v29, v11;
	v50 =	vmul.f32 v30, v10;
	v32 =	vadd.f32 v32, v35  }
0x106: {  	s24 =	smul.f32 $-5.000000000e-01, s24;
	s26 =	spop (v2sf);
	v63 =	vld [tilespmem:s20+$0x4100];
	v28 =	vmul.f32 v28, v6;
	v61 =	vadd.f32 v38, v37;
	v31 =	vadd.f32 v31, v34  }
0x107: {  	s23 =	sadd.f32 s23, s26;
	v29 =	vadd.f32 v29, v50;
	v32 =	vadd.f32 v60, v32  }
0x108: {  	v16 =	vmov s24;
	s25 =	smul.f32 $-5.000000000e-01, s25;
	v36 =	vadd.f32 v62, v61;
	v28 =	vadd.f32 v28, v31  }
0x109: {  	v53 =	vmul.f32 v27, v27;
	s23 =	smul.f32 $-5.000000000e-01, s23;
	v54 =	vsub.f32 v49, v8;
	v55 =	vsub.f32 v49, v2  }
0x10a: {  	v21 =	vmov s25;
	v56 =	vsub.f32 v48, v1;
	v57 =	vsub.f32 v49, v14  }
0x10b: {  	v27 =	vmov s23;
	v42 =	vsub.f32 v48, v13;
	v43 =	vsub.f32 v63, v15  }
0x10c: {  	v31 =	vmul.f32 v53, v12;
	v35 =	vsub.f32 v48, v20;
	v34 =	vsub.f32 v49, v22  }
0x10d: {  	v44 =	vsub.f32 v63, v23;
	v58 =	vsub.f32 v63, v3;
	v37 =	vmul.f32 v54, v54  }
0x10e: {  	v32 =	vsub.f32 v21, v32;
	v39 =	vmul.f32 v55, v55;
	v40 =	vmul.f32 v56, v56  }
0x10f: {  	v36 =	vsub.f32 v27, v36;
	v41 =	vmul.f32 v57, v57;
	v42 =	vmul.f32 v42, v42  }
0x110: {  	v43 =	vmul.f32 v43, v43;
	v29 =	vadd.f32 v31, v29;
	v31 =	vmul.f32 v35, v35  }
0x111: {  	v28 =	vsub.f32 v16, v28;
	v34 =	vmul.f32 v34, v34;
	v60 =	vmul.f32 v44, v44  }
0x112: {  	v52 =	vsub.f32 v63, v9;
	v35 =	vmul.f32 v58, v58;
	v32 =	vmul.f32 $1.442695020e+00, v32  }
0x113: {  	s21 =	sadd.f32 s22, s21;
	v51 =	vmul.f32 $1.442695020e+00, v36;
	v28 =	vmul.f32 $1.442695020e+00, v28  }
0x114: {  	v36 =	vmul.f32 v52, v52;
	v37 =	vmul.f32 v37, v11  }
0x115: {  	s21 =	smul.f32 $-5.000000000e-01, s21;
	v41 =	vmul.f32 v41, v18;
	v42 =	vmul.f32 v42, v17  }
0x116: {  	v53 =	vsub.f32 v48, v7;
	v39 =	vmul.f32 v39, v5;
	v59 =	vmul.f32 v40, v4  }
0x117: {  	v30 =	vmov s21;
	v31 =	vmul.f32 v31, v24;
	v34 =	vmul.f32 v34, v25  }
0x118: {  	v29 =	vsub.f32 v30, v29;
	(erf) = vpow2.f32 v32;
	v32 =	vmul.f32 v53, v53  }
0x119: {  	v61 =	vmul.f32 v43, v19;
	v62 =	vmul.f32 v60, v26;
	v41 =	vadd.f32 v41, v42  }
0x11a: {  	v45 =	vld [tilespmem:s20+$0x80];
	v35 =	vmul.f32 v35, v6;
	v31 =	vadd.f32 v34, v31;
	v32 =	vmul.f32 v32, v10  }
0x11b: {  	v44 =	vld [tilespmem:s20+$0x0];
	v38 =	vadd.f32 v39, v59;
	v29 =	vmul.f32 $1.442695020e+00, v29;
	v63 =	vadd.f32 v61, v41  }
0x11c: {  	s24 =	simm.s32 $0x20;
	s25 =	simm.s32 $0x80;
	v53 =	vld [tilespmem:s20+$0x180];
	v31 =	vadd.f32 v62, v31;
	v32 =	vadd.f32 v37, v32;
	v37 =	vmul.f32 v36, v12  }
0x11d: {  	s21 =	sand.u32 $0x3E00, s25;
	(erf) = vpow2.f32 v51;
	v51 =	vld [tilespmem:s20+$0x100];
	s20 =	sand.u32 $0x70, s24;
	v35 =	vadd.f32 v35, v38;
	v39 =	vsub.f32 v21, v63  }
0x11e: {  	(erf) = vpow2.f32 v28;
	s20 =	sor.u32 s20, s21;
	v28 =	vsub.f32 v27, v31;
	v31 =	vadd.f32 v37, v32  }
0x11f: {  	v58 =	vld [tilespmem:s20+$0x4000];
	v41 =	vsub.f32 v16, v35;
	v40 =	vmul.f32 $1.442695020e+00, v39  }
0x120: {  	(erf) = vpow2.f32 v29;
	v28 =	vmul.f32 $1.442695020e+00, v28;
	v29 =	vsub.f32 v30, v31  }
0x121: {  	(erf) = vpow2.f32 v40;
	v31 =	vmul.f32 $1.442695020e+00, v41  }
0x122: {  	v47 =	vld [tilespmem:s19+$0x100];
	(erf) = vpow2.f32 v28;
	v28 =	vmul.f32 $1.442695020e+00, v29  }
0x123: {  	v49 =	vld [tilespmem:s19+$0x180];
	(erf) = vpow2.f32 v31  }
0x124: {  	v36 =	vsub.f32 v58, v20;
	v29 =	vld [tilespmem:s19+$0x0]  }
0x125: {  	v42 =	vld [tilespmem:s19+$0x80];
	(erf) = vpow2.f32 v28  }
0x126: {  	v55 =	vld [tilespmem:s20+$0x4080];
	v36 =	vmul.f32 v36, v36;
	v28 =	vpop (erf)  }
0x127: {  	v31 =	vpop (erf)  }
0x128: {  	v36 =	vmul.f32 v36, v24;
	v43 =	vpop (erf);
	v31 =	vmul.f32 v31, v49;
	v49 =	vsub.f32 v58, v13  }
0x129: {  	v57 =	vld [tilespmem:s20+$0x4100];
	v28 =	vmul.f32 v28, v47;
	v46 =	vpop (erf);
	v29 =	vmul.f32 v43, v29  }
0x12a: {  	v48 =	vpop (erf);
	v32 =	vmul.f32 v46, v42;
	v46 =	vsub.f32 v58, v1;
	v49 =	vmul.f32 v49, v49  }
0x12b: {  	v50 =	vpop (erf);
	v29 =	vadd.f32 $0.0e+00, v29;
	v33 =	vmul.f32 v48, v51;
	v51 =	vsub.f32 v55, v8  }
0x12c: {  	v48 =	vsub.f32 v55, v14;
	v52 =	vpop (erf);
	v46 =	vmul.f32 v46, v46;
	v49 =	vmul.f32 v49, v17  }
0x12d: {  	v34 =	vmul.f32 v52, v44;
	v29 =	vadd.f32 v29, v32;
	v32 =	vmul.f32 v50, v53  }
0x12e: {  	v54 =	vpop (erf);
	v52 =	vsub.f32 v57, v9;
	v44 =	vmul.f32 v51, v51;
	v48 =	vmul.f32 v48, v48  }
0x12f: {  	v51 =	vsub.f32 v57, v23;
	v35 =	vmul.f32 v54, v45;
	v34 =	vadd.f32 $0.0e+00, v34  }
0x130: {  	v45 =	vsub.f32 v58, v7;
	v46 =	vmul.f32 v46, v4;
	v28 =	vadd.f32 v29, v28  }
0x131: {  	v47 =	vmul.f32 v52, v52;
	v44 =	vmul.f32 v44, v11;
	v29 =	vadd.f32 v34, v35  }
0x132: {  	v53 =	vsub.f32 v55, v2;
	v48 =	vmul.f32 v48, v18;
	v51 =	vmul.f32 v51, v51  }
0x133: {  	v45 =	vmul.f32 v45, v45;
	v28 =	vadd.f32 v28, v31;
	v29 =	vadd.f32 v29, v33  }
0x134: {  	v34 =	vsub.f32 v55, v22;
	v35 =	vsub.f32 v57, v3;
	v55 =	vmul.f32 v51, v26  }
0x135: {  	v45 =	vmul.f32 v45, v10;
	v33 =	vadd.f32 $1.000000010e-10, v28;
	v29 =	vadd.f32 v29, v32  }
0x136: {  	v48 =	vadd.f32 v48, v49;
	v34 =	vmul.f32 v34, v34;
	v35 =	vmul.f32 v35, v35  }
0x137: {  	s23 =	simm.s32 $0x0;
	v44 =	vadd.f32 v44, v45;
	v56 =	vand.u32 $0x7FFFFF, v33;
	v39 =	vadd.f32 $1.000000010e-10, v29  }
0x138: {  	v31 =	vld [tilespmem:s23+$0x8000];
	v33 =	vshrl.u32 v33, $0x17;
	v34 =	vmul.f32 v34, v25;
	v32 =	vor.u32 $0x3F800000, v56  }
0x139: {  	s26 =	simm.s32 $0x10;
	v56 =	vmul.f32 v47, v12;
	v59 =	vmul.f32 $5.000000000e-01, v32;
	v60 =	vand.u32 $0x7FFFFF, v39  }
0x13a: {  	v28 =	vld [tilespmem:s26+$0x8000];
	v29 =	vimm.f32 $0.0e+00;
	vm8 =	vge.f32 v32, $1.414213540e+00;
	v38 =	vor.u32 $0x3F800000, v60  }
0x13b: {  	s29 =	simm.s32 $0x30;
	s30 =	simm.s32 $0xC0;
	v34 =	vadd.f32 v34, v36;
	v63 =	vsel vm8, v59, v32;
	v50 =	vmul.f32 $5.000000000e-01, v38  }
0x13c: {  	s28 =	simm.s32 $0x20;
	s21 =	sand.u32 $0x3E00, s30;
	s19 =	sand.u32 $0x70, s29;
	v62 =	vsel vm8, $0x1, v0;
	v52 =	vadd.f32 $1.000000000e+00, v63;
	vm8 =	vge.f32 v38, $1.414213540e+00  }
0x13d: {  	s19 =	sor.u32 s19, s21;
	v61 =	vadd.f32 v31, v29;
	v32 =	vld [tilespmem:s28+$0x8000];
	v37 =	vsel vm8, v50, v38;
	v50 =	vsub.f32 v57, v15  }
0x13e: {  	v47 =	vld [tilespmem:s19+$0x4080];
	v34 =	vadd.f32 v55, v34;
	(erf) = vrcp.f32 v52;
	v38 =	vmul.f32 v53, v53  }
0x13f: {  	s31 =	simm.s32 $0x30;
	v58 =	vadd.f32 v56, v44;
	v44 =	vld [tilespmem:s19+$0x4100];
	v40 =	vadd.f32 v28, v61;
	v50 =	vmul.f32 v50, v50  }
0x140: {  	v34 =	vsub.f32 v27, v34;
	v57 =	vand.u32 $0xFF, v33;
	v33 =	vld [tilespmem:s31+$0x8000];
	v38 =	vmul.f32 v38, v5  }
0x141: {  	v35 =	vmul.f32 v35, v6;
	v43 =	vadd.f32 $-1.000000000e+00, v63;
	v54 =	vmul.f32 v50, v19  }
0x142: {  	v61 =	vmul.f32 $1.442695020e+00, v34;
	v40 =	vadd.f32 v32, v40;
	v38 =	vadd.f32 v38, v46;
	v46 =	vld [tilespmem:s19+$0x4000]  }
0x143: {  	v41 =	vadd.s32 v62, v57;
	v57 =	vsub.f32 v47, v2;
	v48 =	vadd.f32 v54, v48  }
0x144: {  	v62 =	vsub.f32 v44, v9;
	v41 =	vadd.s32 $0xFFFFFF81, v41;
	v38 =	vadd.f32 v35, v38  }
0x145: {  	v49 =	vmul.f32 v57, v57;
	v34 =	vadd.f32 v33, v40;
	v59 =	vsub.f32 v21, v48  }
0x146: {  	v40 =	vmul.f32 v62, v62;
	v48 =	vsub.f32 v30, v58;
	v38 =	vsub.f32 v16, v38  }
0x147: {  	v35 =	vcvt.s32.f32 v41;
	v60 =	vpop (erf);
	v58 =	vsub.f32 v47, v8;
	v63 =	vsub.f32 v46, v7  }
0x148: {  	v36 =	vmul.f32 v60, v43;
	v60 =	vsub.f32 v46, v1;
	v54 =	vsub.f32 v46, v13  }
0x149: {  	v55 =	vsub.f32 v46, v20;
	v46 =	vmul.f32 v49, v5;
	v45 =	vmul.f32 $1.442695020e+00, v59  }
0x14a: {  	v43 =	vmul.f32 $1.442695020e+00, v38;
	v50 =	vmul.f32 v58, v58  }
0x14b: {  	v39 =	vshrl.u32 v39, $0x17;
	v56 =	vmul.f32 $1.442695020e+00, v48;
	v38 =	vmul.f32 v36, v36  }
0x14c: {  	v42 =	vsel vm8, $0x1, v0;
	v41 =	vmul.f32 v60, v60;
	v62 =	vmul.f32 v54, v54  }
0x14d: {  	v53 =	vsub.f32 v44, v3;
	(erf) = vpow2.f32 v45;
	v50 =	vmul.f32 v50, v11  }
0x14e: {  	v45 =	vmul.f32 v63, v63;
	v63 =	vsub.f32 v44, v15;
	v59 =	vmul.f32 $1.111111120e-01, v38  }
0x14f: {  	(erf) = vpow2.f32 v61;
	v61 =	vsub.f32 v47, v14;
	v58 =	vmul.f32 v62, v17  }
0x150: {  	v49 =	vand.u32 $0xFF, v39;
	v48 =	vmul.f32 v41, v4;
	v54 =	vmul.f32 v63, v63  }
0x151: {  	v62 =	vsub.f32 v47, v22;
	v45 =	vmul.f32 v45, v10;
	v52 =	vmul.f32 v61, v61  }
0x152: {  	(erf) = vpow2.f32 v43;
	v51 =	vadd.f32 $1.428571490e-01, v59;
	v61 =	vmul.f32 v55, v55  }
0x153: {  	v44 =	vsub.f32 v44, v23;
	v41 =	vmul.f32 v62, v62;
	v57 =	vmul.f32 v52, v18  }
0x154: {  	v63 =	vmul.f32 v54, v19;
	v45 =	vadd.f32 v50, v45;
	v59 =	vmul.f32 v51, v38  }
0x155: {  	v52 =	vmul.f32 v61, v24;
	v41 =	vmul.f32 v41, v25;
	v60 =	vadd.f32 v57, v58  }
0x156: {  	v57 =	vadd.f32 $1.000000000e+00, v37;
	v58 =	vadd.f32 $2.000000030e-01, v59;
	v59 =	vmul.f32 v40, v12  }
0x157: {  	v39 =	vld [tilespmem:s19+$0x80];
	v44 =	vmul.f32 v44, v44;
	(erf) = vpow2.f32 v56;
	v47 =	vadd.f32 v63, v60  }
0x158: {  	v43 =	vld [tilespmem:s20+$0x100];
	v62 =	vadd.f32 v41, v52;
	v50 =	vadd.f32 v59, v45;
	(erf) = vrcp.f32 v57  }
0x159: {  	v40 =	vld [tilespmem:s20+$0x80];
	v60 =	vmul.f32 v58, v38;
	v63 =	vmul.f32 v44, v26;
	v61 =	vsub.f32 v21, v47  }
0x15a: {  	v52 =	vmul.f32 v53, v53;
	v41 =	vpop (erf);
	v45 =	vld [tilespmem:s20+$0x180];
	v44 =	vsub.f32 v30, v50;
	v47 =	vadd.s32 v42, v49  }
0x15b: {  	s23 =	simm.s32 $0x40;
	v49 =	vadd.f32 $3.333333430e-01, v60;
	v42 =	vpop (erf);
	v50 =	vld [tilespmem:s20+$0x0];
	v53 =	vadd.f32 v63, v62;
	s20 =	simm.s32 $0x100;
	v51 =	vmul.f32 $1.442695020e+00, v61  }
.LBB2_4:
0x15c: {  	s21 =	smov.u32 s23  }
0x15d: {  	s22 =	sand.u32 $0x70, s23;
	s24 =	sand.u32 $0x3E00, s20;
	v47 =	vadd.s32 $0xFFFFFF81, v47;
	v38 =	vmul.f32 v49, v38;
	v49 =	vmul.f32 $6.931471820e-01, v35;
	s21 =	sadd.s32 $0x10, s23  }
0x15e: {  	s25 =	sshra.s32 s20, $0x2;
	p0 =	sne.s32 s23, $0xFF0;
	v46 =	vadd.f32 v46, v48;
	s22 =	sor.u32 s22, s24;
	v48 =	vmul.f32 v52, v6;
	v52 =	vsub.f32 v27, v53  }
0x15f: {  	v55 =	vadd.f32 v36, v36;
	v35 =	vcvt.s32.f32 v47;
	v38 =	vadd.f32 $1.000000000e+00, v38;
	v53 =	vld [tilespmem:s25+$0x8000];
	v54 =	vpop (erf)  }
0x160: {  	v46 =	vadd.f32 v48, v46;
	v48 =	vmul.f32 $1.442695020e+00, v52;
	v47 =	vld [tilespmem:s22+$0x4100];
	v50 =	vmul.f32 v54, v50  }
0x161: {  	v37 =	vadd.f32 $-1.000000000e+00, v37;
	v38 =	vmul.f32 v38, v55;
	v52 =	vld [tilespmem:s22+$0x4000];
	(erf) = vpow2.f32 v51;
	v51 =	vpop (erf)  }
0x162: {  	v46 =	vsub.f32 v16, v46;
	v54 =	vld [tilespmem:s22+$0x4080];
	v50 =	vadd.f32 $0.0e+00, v50;
	v51 =	vmul.f32 v51, v40;
	v36 =	vpop (erf)  }
0x163: {  	v42 =	vmul.f32 v42, v45;
	v40 =	vmovc v39;
	v36 =	vmul.f32 v36, v37;
	v37 =	vadd.f32 v38, v49;
	v39 =	vld [tilespmem:s22+$0x80]  }
0x164: {  	v41 =	vmul.f32 v41, v43;
	v34 =	vadd.f32 v53, v34;
	v45 =	vadd.f32 v50, v51  }
0x165: {  	v49 =	vmul.f32 $1.442695020e+00, v46;
	v43 =	vsub.f32 v47, v9;
	v38 =	vmul.f32 v36, v36  }
0x166: {  	v37 =	vmul.f32 v37, v31;
	v31 =	vmovc v28;
	v46 =	vsub.f32 v52, v7;
	v41 =	vadd.f32 v45, v41  }
0x167: {  	v28 =	vmovc v32;
	v32 =	vmovc v33;
	v45 =	vsub.f32 v54, v2;
	v50 =	vmul.f32 v43, v43;
	v43 =	vmul.f32 $1.111111120e-01, v38  }
0x168: {  	v33 =	vmovc v53;
	v51 =	vsub.f32 v54, v8;
	(erf) = vpow2.f32 v48;
	v42 =	vadd.f32 v41, v42  }
0x169: {  	v29 =	vadd.f32 v37, v29;
	v48 =	vsub.f32 v52, v1;
	v45 =	vmul.f32 v45, v45  }
0x16a: {  	v37 =	vmul.f32 v51, v51;
	v51 =	vsub.f32 v54, v14;
	v41 =	vpop (erf);
	v53 =	vadd.f32 $1.000000010e-10, v42  }
0x16b: {  	v55 =	vsub.f32 v47, v3;
	v43 =	vadd.f32 $1.428571490e-01, v43;
	v48 =	vmul.f32 v48, v48  }
0x16c: {  	v56 =	vmul.f32 v37, v11;
	v37 =	vsub.f32 v52, v13;
	v42 =	vand.u32 $0x7FFFFF, v53  }
0x16d: {  	v51 =	vmul.f32 v51, v51;
	v52 =	vsub.f32 v52, v20;
	v57 =	vor.u32 $0x3F800000, v42  }
0x16e: {  	v58 =	vmul.f32 v46, v46;
	v46 =	vsub.f32 v47, v15;
	v47 =	vsub.f32 v47, v23  }
0x16f: {  	v44 =	vmul.f32 $1.442695020e+00, v44;
	v37 =	vmul.f32 v37, v37;
	vm8 =	vge.f32 v57, $1.414213540e+00  }
0x170: {  	v59 =	vmul.f32 v46, v46;
	v51 =	vmul.f32 v51, v18;
	v60 =	vsel vm8, $0x1, v0  }
0x171: {  	v53 =	vshrl.u32 v53, $0x17;
	v61 =	vmul.f32 $5.000000000e-01, v57;
	v37 =	vmul.f32 v37, v17;
	v42 =	vpop (erf)  }
0x172: {  	v46 =	vmul.f32 v45, v5;
	v62 =	vmul.f32 v43, v38;
	v53 =	vand.u32 $0xFF, v53  }
0x173: {  	v52 =	vmul.f32 v52, v52;
	v51 =	vadd.f32 v51, v37;
	v37 =	vsel vm8, v61, v57  }
0x174: {  	v47 =	vmul.f32 v47, v47;
	v45 =	vsub.f32 v54, v22;
	v48 =	vmul.f32 v48, v4  }
0x175: {  	v54 =	vmul.f32 v58, v10;
	v57 =	vmul.f32 v59, v19;
	v58 =	vadd.f32 $1.000000000e+00, v37;
	v43 =	vld [tilespmem:s19+$0x100]  }
0x176: {  	v59 =	vmul.f32 v45, v45;
	v45 =	vld [tilespmem:s19+$0x180];
	(erf) = vpow2.f32 v49;
	v49 =	vadd.f32 $2.000000030e-01, v62  }
0x177: {  	v50 =	vmul.f32 v50, v12;
	v54 =	vadd.f32 v56, v54;
	v52 =	vmul.f32 v52, v24  }
.Ltmp1:
0x178: {  	v51 =	vadd.f32 v57, v51;
	v56 =	vmul.f32 v59, v25;
	(erf) = vpow2.f32 v44;
	(pc) =	sbr.rel @p0 .LBB2_4-.Ltmp1, $4  }
0x179: {  	v44 =	vadd.f32 v50, v54;
	v49 =	vmul.f32 v49, v38;
	(erf) = vrcp.f32 v58  }
0x17a: {  	v51 =	vsub.f32 v21, v51;
	v54 =	vadd.f32 v56, v52;
	v56 =	vmul.f32 v47, v26  }
0x17b: {  	v47 =	vadd.s32 v60, v53;
	v44 =	vsub.f32 v30, v44;
	v49 =	vadd.f32 $3.333333430e-01, v49;
	v50 =	vld [tilespmem:s19+$0x0];
	s19 =	smov.u32 s22  }
0x17c: {  	s20 =	sadd.s32 $0x40, s20;
	s23 =	smov.u32 s21;
	v51 =	vmul.f32 $1.442695020e+00, v51;
	v52 =	vmul.f32 v55, v55;
	v53 =	vadd.f32 v56, v54  }
0x17d: {  	_ = 	snop  }
0x17e: {  	v1 =	vadd.f32 v46, v48;
	v2 =	vmul.f32 v52, v6;
	_ =	sdelay $0x1  }
0x17f: {  	v1 =	vadd.f32 v2, v1  }
0x180: {  	v2 =	vsub.f32 v27, v53  }
0x181: {  	v1 =	vsub.f32 v16, v1  }
0x182: {  	v2 =	vmul.f32 $1.442695020e+00, v2  }
0x183: {  	(erf) = vpow2.f32 v51;
	v1 =	vmul.f32 $1.442695020e+00, v1  }
0x184: {  	(erf) = vpow2.f32 v2  }
0x185: {  	v2 =	vmul.f32 $1.442695020e+00, v44;
	(erf) = vpow2.f32 v1;
	_ =	sdelay $0x1  }
0x186: {  	(erf) = vpow2.f32 v2;
	_ =	sdelay $0x1  }
0x187: {  	v1 =	vpop (erf)  }
0x188: {  	v3 =	vld [tilespmem:s19+$0x0];
	v2 =	vpop (erf)  }
0x189: {  	v4 =	vpop (erf)  }
0x18a: {  	v1 =	vmul.f32 v1, v50;
	v5 =	vpop (erf)  }
0x18b: {  	v30 =	vpop (erf)  }
0x18c: {  	v7 =	vld [tilespmem:s19+$0x100];
	v2 =	vmul.f32 v2, v40;
	v1 =	vadd.f32 $0.0e+00, v1;
	v8 =	vpop (erf)  }
0x18d: {  	v3 =	vmul.f32 v8, v3  }
0x18e: {  	v1 =	vadd.f32 v1, v2;
	v2 =	vld [tilespmem:s19+$0x180];
	v40 =	vpop (erf)  }
0x18f: {  	v9 =	vmul.f32 v41, v43;
	v8 =	vmul.f32 v40, v39;
	v3 =	vadd.f32 $0.0e+00, v3  }
0x190: {  	v10 =	vmul.f32 v42, v45  }
0x191: {  	v5 =	vmul.f32 v5, v7;
	v1 =	vadd.f32 v1, v9;
	v3 =	vadd.f32 v3, v8;
	_ =	sdelay $0x1  }
0x192: {  	v1 =	vadd.f32 v1, v10;
	v2 =	vmul.f32 v30, v2;
	v3 =	vadd.f32 v3, v5;
	_ =	sdelay $0x1  }
0x193: {  	v1 =	vadd.f32 $1.000000010e-10, v1;
	v2 =	vadd.f32 v3, v2;
	_ =	sdelay $0x1  }
0x194: {  	v3 =	vand.u32 $0x7FFFFF, v1;
	v2 =	vadd.f32 $1.000000010e-10, v2  }
0x195: {  	v3 =	vor.u32 $0x3F800000, v3  }
0x196: {  	v42 =	vmul.f32 $5.000000000e-01, v3;
	v43 =	vand.u32 $0x7FFFFF, v2  }
0x197: {  	vm2 =	vge.f32 v3, $1.414213540e+00;
	v6 =	vor.u32 $0x3F800000, v43  }
0x198: {  	v3 =	vsel vm2, v42, v3;
	v44 =	vmul.f32 $5.000000000e-01, v6  }
0x199: {  	v45 =	vadd.f32 $1.000000000e+00, v3;
	vm8 =	vge.f32 v6, $1.414213540e+00  }
0x19a: {  	v5 =	vsel vm8, v44, v6  }
0x19b: {  	(erf) = vrcp.f32 v45;
	v6 =	vadd.f32 $1.000000000e+00, v5;
	_ =	sdelay $0x1  }
0x19c: {  	(erf) = vrcp.f32 v6;
	_ =	sdelay $0x2  }
0x19d: {  	v46 =	vadd.f32 $-1.000000000e+00, v37;
	_ =	sdelay $0x1  }
0x19e: {  	v4 =	vmul.f32 v4, v46  }
0x19f: {  	v3 =	vadd.f32 $-1.000000000e+00, v3  }
0x1a0: {  	v6 =	vmul.f32 v4, v4;
	v50 =	vpop (erf)  }
0x1a1: {  	v5 =	vadd.f32 $-1.000000000e+00, v5;
	v3 =	vmul.f32 v50, v3  }
0x1a2: {  	v48 =	vmul.f32 $1.111111120e-01, v6;
	v52 =	vpop (erf)  }
0x1a3: {  	v53 =	vmul.f32 v3, v3;
	v5 =	vmul.f32 v52, v5  }
0x1a4: {  	v12 =	vadd.f32 v36, v36;
	v51 =	vmul.f32 v49, v38  }
0x1a5: {  	v7 =	vadd.f32 $1.428571490e-01, v48;
	v54 =	vmul.f32 $1.111111120e-01, v53;
	v11 =	vmul.f32 v5, v5  }
0x1a6: {  	v13 =	vmul.f32 $6.931471820e-01, v35;
	v55 =	vadd.s32 $0xFFFFFF81, v47;
	v8 =	vadd.f32 $1.000000000e+00, v51  }
0x1a7: {  	v7 =	vmul.f32 v7, v6;
	v9 =	vadd.f32 $1.428571490e-01, v54;
	v14 =	vmul.f32 $1.111111120e-01, v11  }
0x1a8: {  	v8 =	vmul.f32 v8, v12;
	v12 =	vcvt.s32.f32 v55;
	v1 =	vshrl.u32 v1, $0x17  }
0x1a9: {  	v7 =	vadd.f32 $2.000000030e-01, v7;
	v9 =	vmul.f32 v9, v53;
	v14 =	vadd.f32 $1.428571490e-01, v14  }
0x1aa: {  	v8 =	vadd.f32 v8, v13;
	v12 =	vmul.f32 $6.931471820e-01, v12;
	v1 =	vand.u32 $0xFF, v1  }
0x1ab: {  	v7 =	vmul.f32 v7, v6;
	v9 =	vadd.f32 $2.000000030e-01, v9;
	v56 =	vmul.f32 v14, v11  }
0x1ac: {  	v8 =	vmul.f32 v8, v31;
	v15 =	vsel vm2, $0x1, v0;
	v2 =	vshrl.u32 v2, $0x17  }
0x1ad: {  	v7 =	vadd.f32 $3.333333430e-01, v7;
	v57 =	vmul.f32 v9, v53;
	v58 =	vadd.f32 $2.000000030e-01, v56  }
0x1ae: {  	v1 =	vadd.s32 v15, v1;
	v2 =	vand.u32 $0xFF, v2;
	v59 =	vsel vm8, $0x1, v0  }
0x1af: {  	v6 =	vmul.f32 v7, v6;
	v7 =	vadd.f32 $3.333333430e-01, v57;
	v9 =	vmul.f32 v58, v11  }
0x1b0: {  	v1 =	vadd.s32 $0xFFFFFF81, v1;
	v2 =	vadd.s32 v59, v2;
	v4 =	vadd.f32 v4, v4  }
0x1b1: {  	v6 =	vadd.f32 $1.000000000e+00, v6;
	v7 =	vmul.f32 v7, v53;
	v9 =	vadd.f32 $3.333333430e-01, v9  }
0x1b2: {  	v1 =	vcvt.s32.f32 v1;
	v2 =	vadd.s32 $0xFFFFFF81, v2;
	v3 =	vadd.f32 v3, v3  }
0x1b3: {  	v4 =	vmul.f32 v6, v4;
	v60 =	vadd.f32 $1.000000000e+00, v7;
	v61 =	vmul.f32 v9, v11  }
0x1b4: {  	v1 =	vmul.f32 $6.931471820e-01, v1;
	v2 =	vcvt.s32.f32 v2;
	v5 =	vadd.f32 v5, v5  }
0x1b5: {  	v4 =	vadd.f32 v4, v12;
	v3 =	vmul.f32 v60, v3;
	v62 =	vadd.f32 $1.000000000e+00, v61  }
0x1b6: {  	v63 =	vadd.f32 v8, v29;
	v2 =	vmul.f32 $6.931471820e-01, v2  }
0x1b7: {  	v4 =	vmul.f32 v4, v28;
	v1 =	vadd.f32 v3, v1;
	v3 =	vmul.f32 v62, v5;
	_ =	sdelay $0x1  }
0x1b8: {  	v4 =	vadd.f32 v4, v63;
	v1 =	vmul.f32 v1, v32;
	v2 =	vadd.f32 v3, v2;
	_ =	sdelay $0x1  }
0x1b9: {  	v1 =	vadd.f32 v1, v4;
	v2 =	vmul.f32 v2, v33;
	_ =	sdelay $0x1  }
0x1ba: {  	v1 =	vadd.f32 v2, v1;
	_ =	sdelay $0x1  }
0x1bb: {  	(xrf2) =	vadd.scan.msk.f32 $0xffff, v1;
	_ =	sdelay $0x1  }
0x1bc: {  	(xrf2) =	vadd.scan.msk.f32 $0xffff, v34;
	_ =	sdelay $0x7  }
0x1bd: {  	v1, _, _ =	vpop (xrf2)  }
0x1be: {  	v1 =	vbroadcast v1, $0xF  }
0x1bf: {  	v2, _, _ =	vpop (xrf2)  }
0x1c0: {  	v2 =	vbroadcast v2, $0xF;
	v1 =	vnsel vm1, $0x0, v1  }
0x1c1: {  	v1 =	vadd.f32 $0.0e+00, v1  }
0x1c2: {  	v2 =	vnsel vm11, $0x0, v2  }
0x1c3: {  	s18 =	sadd.s32 $0x1, s18;
	v1 =	vadd.f32 v2, v1  }
0x1c4: {  	p0 =	sne.s32 s18, s9  }
.Ltmp2:
0x1c5: {  	[tilespmem:$0x9880] =	vst v1;
	(pc) =	sbr.rel @p0 .LBB2_1-.Ltmp2, $4  }
0x1c6: {  	[hbm4b:s8+s3] =	stream.linear.scatter [tilespmem:s17], [sflag:$0x1], $0x80, $0x38;
	[tilespmem:$0x9920] =	vst v63  }
0x1c7: {  	_ =	swait.ge [sflag:s10], $0x80  }
0x1c8: {  	[sflag:s10] =	ssyncset.done $0x0  }
0x1c9: {  	[sflag:s10] =	ssyncadd.s32 $0xFFFFFF80  }
0x1ca: {  	_ =	sfence.sel $0x180000  }
0x1cb: {  	[bflag:$0x0] =	sbarrier.arrive $0xFFFF  }
0x1cc: {  	p0 =	sne.s32 s2, $0x0;
	_ =	strace $0x90000047  }
0x1cd: {  	s0 =	sadd.s32 @!p0 $0x100000, s0;
	[bflag:$0x2] =	sbarrier.arrive $0xFFFF  }
0x1ce: {  	[sflag:s0] =	ssyncadd.tile.s32 @!p0 $0x1;
	_ =	shalt  }
.Lfunc_end2:
_tile_overlayer_lowered:
.L_overlay_start_2:
0x1cf: {  	(tag) =	ssettag $0x2  }
0x1d0: {  	s0 =	rddreg [dreg:$0x0];
	s2 =	stileid.u32  }
0x1d1: {  	s1 =	rddreg [dreg:$0x1];
	p0 =	sne.s32 s2, $0x0  }
0x1d2: {  	s3 =	rddreg [dreg:$0x2];
	[bflag:$0x3] =	sbarrier.arrive $0xFFFF;
	s2 =	simm.s32 @!p0 $0x1C01  }
0x1d3: {  	[timem:s3], [sflag:s2] =	dma.local @!p0 [hbm:s0], s1  }
0x1d4: {  	s0 =	simm.s32 @!p0 $0x1  }
0x1d5: {  	_ =	swait.ge @!p0 [sflag:s0], s1  }
0x1d6: {  	s1 =	ssub.s32 @!p0 $0x0, s1;
	[sflag:s0] =	ssyncset.done @!p0 $0x0  }
0x1d7: {  	[sflag:s0] =	ssyncadd.s32 @!p0 s1  }
0x1d8: {  	[bflag:$0x3] =	sbarrier.arrive $0xFFFF  }
0x1d9: {  	_ =	shalt  }

</sc_bundles>
